<compile_context>
chip_gen: v7x
topology: tpu7x:2x2x1
jax: 0.10.2.dev20260603
libtpu: 0.0.44.dev20260713+nightly
codegen_flags: <defaults>
</compile_context>

<pallas_src>
import functools

import numpy as np
import jax
import jax.numpy as jnp
from jax import lax
from jax.experimental import pallas as pl
from jax.experimental.pallas import tpu as pltpu
from jax.experimental.pallas import tpu_sc as plsc

_VOCAB = 100000
_D = 1024
_HD = 64
_THETA = 10000.0
_B = 4
_S = 2048
_MIN = float(np.finfo(np.float32).min)

_NC = 2
_NS = 16
_NW = _NC * _NS
_TOK = _B * _S
_RPW = _TOK // _NW
_CH = 32
_NCH = _RPW // _CH


@functools.cache
def _make_sc_gather():
    mesh = plsc.VectorSubcoreMesh(core_axis_name="c", subcore_axis_name="s")

    @functools.partial(
        pl.kernel,
        mesh=mesh,
        out_type=jax.ShapeDtypeStruct((_TOK, _D), jnp.float32),
        scratch_types=[
            pltpu.VMEM((_NCH, _CH), jnp.int32),
            pltpu.VMEM((_CH, _D), jnp.float32),
            pltpu.VMEM((_CH, _D), jnp.float32),
            pltpu.SemaphoreType.DMA,
            pltpu.SemaphoreType.DMA,
            pltpu.SemaphoreType.DMA,
            pltpu.SemaphoreType.DMA,
        ],
    )
    def _sc_gather(table, ids, out, idx_v, buf_a, buf_b, gsem_a, gsem_b, wsem_a, wsem_b):
        wid = lax.axis_index("s") * _NC + lax.axis_index("c")
        base = pl.multiple_of(wid * _RPW, _RPW)
        pltpu.sync_copy(ids.at[wid], idx_v)

        def gather(c, buf, gsem):
            pltpu.async_copy(table.at[idx_v.at[c]], buf, gsem)

        def write(c, buf, wsem):
            pltpu.async_copy(buf, out.at[pl.ds(base + c * _CH, _CH)], wsem)

        def wait_gather(buf, gsem):
            pltpu.make_async_copy(table.at[idx_v.at[0]], buf, gsem).wait()

        def wait_write(buf, wsem):
            pltpu.make_async_copy(buf, out.at[pl.ds(base, _CH)], wsem).wait()

        gather(0, buf_a, gsem_a)
        gather(1, buf_b, gsem_b)
        npair = _NCH // 2

        def body(t, carry):
            c = pl.multiple_of(t * 2, 2)
            wait_gather(buf_a, gsem_a)
            write(c, buf_a, wsem_a)
            wait_gather(buf_b, gsem_b)
            write(c + 1, buf_b, wsem_b)

            @pl.when(t + 1 < npair)
            def _():
                wait_write(buf_a, wsem_a)
                gather(c + 2, buf_a, gsem_a)
                wait_write(buf_b, wsem_b)
                gather(c + 3, buf_b, gsem_b)

            return carry

        lax.fori_loop(0, npair, body, 0)
        wait_write(buf_a, wsem_a)
        wait_write(buf_b, wsem_b)

    return _sc_gather


_RBLK = 256
_NRB = _S // _RBLK

_inv_half = 1.0 / (_THETA ** (np.arange(0, _HD, 2, dtype=np.float32) / np.float32(_HD)))
_INV2 = np.concatenate([_inv_half, _inv_half]).reshape(_HD, 1).astype(np.float32)


def _mask_rope_body(am_ref, pos_ref, inv_ref, lab_ref, sw_ref,
                    mask_hbm, cos_ref, sin_ref, lab_out, sw_out, bufs, sems):
    r = pl.program_id(0)
    row = lax.broadcasted_iota(jnp.int32, (_RBLK, _S), 0)
    col = lax.broadcasted_iota(jnp.int32, (_RBLK, _S), 1)
    causal = jnp.where(col - row > r * _RBLK, _MIN, 0.0)
    s = r % 2
    for b in range(_B):
        i = s * _B + b

        @pl.when(r >= 2)
        def _wait(i=i, b=b):
            pltpu.make_async_copy(
                bufs.at[i], mask_hbm.at[b, 0, pl.ds(0, _RBLK)], sems.at[i]
            ).wait()

        pb = jnp.where(am_ref[b, :][None, :] == 0.0, _MIN, 0.0)
        bufs[i] = jnp.minimum(causal, pb)
        pltpu.async_copy(
            bufs.at[i], mask_hbm.at[b, 0, pl.ds(r * _RBLK, _RBLK)], sems.at[i]
        )

    @pl.when(r == _NRB - 1)
    def _drain():
        for i in range(2 * _B):
            pltpu.make_async_copy(
                bufs.at[i], mask_hbm.at[0, 0, pl.ds(0, _RBLK)], sems.at[i]
            ).wait()

    @pl.when(r == 0)
    def _():
        pos_f = pos_ref[...].astype(jnp.float32)
        emb_t = inv_ref[...] * pos_f
        cos_ref[0] = jnp.cos(emb_t)
        sin_ref[0] = jnp.sin(emb_t)
        lab_out[...] = lab_ref[...]
        sw_out[...] = sw_ref[...]


def _mask_rope(attention_mask, position_ids, inv2, labels, sample_weights):
    return pl.pallas_call(
        _mask_rope_body,
        grid=(_NRB,),
        in_specs=[
            pl.BlockSpec((_B, _S), lambda r: (0, 0)),
            pl.BlockSpec((1, _S), lambda r: (0, 0)),
            pl.BlockSpec((_HD, 1), lambda r: (0, 0)),
            pl.BlockSpec((_B, _S), lambda r: (0, 0)),
            pl.BlockSpec((1, _B), lambda r: (0, 0)),
        ],
        out_specs=[
            pl.BlockSpec(memory_space=pl.ANY),
            pl.BlockSpec((1, _HD, _S), lambda r: (0, 0, 0)),
            pl.BlockSpec((1, _HD, _S), lambda r: (0, 0, 0)),
            pl.BlockSpec((_B, _S), lambda r: (0, 0)),
            pl.BlockSpec((1, _B), lambda r: (0, 0)),
        ],
        out_shape=[
            jax.ShapeDtypeStruct((_B, 1, _S, _S), jnp.float32),
            jax.ShapeDtypeStruct((1, _HD, _S), jnp.float32),
            jax.ShapeDtypeStruct((1, _HD, _S), jnp.float32),
            jax.ShapeDtypeStruct((_B, _S), jnp.int32),
            jax.ShapeDtypeStruct((1, _B), jnp.float32),
        ],
        scratch_shapes=[
            pltpu.VMEM((2 * _B, _RBLK, _S), jnp.float32),
            pltpu.SemaphoreType.DMA((2 * _B,)),
        ],
    )(attention_mask, position_ids, inv2, labels, sample_weights)


def kernel(input_ids, attention_mask, position_ids, labels, sample_weights, W):
    mask4d, cos_t, sin_t, lab_out, sw_out = _mask_rope(
        attention_mask, position_ids, jnp.asarray(_INV2),
        labels, sample_weights.reshape(1, _B))
    idx3 = input_ids.reshape(_NW, _NCH, _CH)
    hidden = _make_sc_gather()(W, idx3).reshape(_B, _S, _D)
    cos3 = jnp.transpose(cos_t, (0, 2, 1))
    sin3 = jnp.transpose(sin_t, (0, 2, 1))
    return (hidden, mask4d, cos3, sin3, lab_out, sw_out.reshape(_B))

# --- scband reference (transcript-rebuilt; emitter-appended) ---
"""Pipeline reference for scband-embedding-pipe-50972671868999 (READ-ONLY COPY).

The authoritative reference and input builder live on the scoring server;
editing this copy changes nothing except your own understanding.
"""

import jax, jax.numpy as jnp
import numpy as np

VOCAB = 100000
D_MODEL = 1024
N_HEADS = 16
HEAD_DIM = D_MODEL // N_HEADS
ROPE_THETA = 10000.0
B = 4
S = 2048


def setup_inputs(seed: int = 0) -> dict:
    key = jax.random.key(seed)
    k1, k2, k3, k4 = jax.random.split(key, 4)
    input_ids = jax.random.randint(k1, (B, S), 0, VOCAB, dtype=jnp.int64 if jax.config.jax_enable_x64 else jnp.int32).astype(jnp.int32)
    attention_mask = jnp.ones((B, S), dtype=jnp.float32)
    position_ids = jnp.arange(S, dtype=jnp.int32)[None, :]
    labels = jax.random.randint(k2, (B, S), 0, VOCAB, dtype=jnp.int32)
    sample_weights = jax.random.uniform(k3, (B,), dtype=jnp.float32)
    W = jax.random.normal(k4, (VOCAB, D_MODEL), dtype=jnp.float32) * 0.02
    return {
        "input_ids": input_ids,
        "attention_mask": attention_mask,
        "position_ids": position_ids,
        "labels": labels,
        "sample_weights": sample_weights,
        "W": W,
    }


def reference(input_ids, attention_mask, position_ids, labels, sample_weights, W):
    # 1) embedding lookup (the memory-bound gather)
    inputs_embeds = jnp.take(W, input_ids, axis=0)  # [B, S, D]
    hidden_states = inputs_embeds

    b, s = input_ids.shape
    min_val = jnp.finfo(jnp.float32).min

    # 2) _update_causal_mask: build 4D additive causal mask [B, 1, S, S]
    causal = jnp.triu(jnp.full((s, s), min_val, dtype=jnp.float32), k=1)
    causal4d = jnp.broadcast_to(causal[None, None, :, :], (b, 1, s, s))
    pad = (attention_mask[:, None, None, :] == 0.0)  # [B,1,1,S]
    causal4d = jnp.where(pad, min_val, causal4d)

    # 3) rotary embedding cos/sin from position_ids
    inv_freq = 1.0 / (ROPE_THETA ** (jnp.arange(0, HEAD_DIM, 2, dtype=jnp.float32) / HEAD_DIM))  # [HEAD_DIM/2]
    freqs = position_ids.astype(jnp.float32)[:, :, None] * inv_freq[None, None, :]  # [1, S, HEAD_DIM/2]
    emb = jnp.concatenate([freqs, freqs], axis=-1)  # [1, S, HEAD_DIM]
    cos = jnp.cos(emb)
    sin = jnp.sin(emb)

    return (hidden_states, causal4d, cos, sin, labels, sample_weights)

if __name__ == "__main__":
    import jax
    _d = setup_inputs()
    print(jax.jit(kernel)(*tuple(_d.values())))

</pallas_src>

<mosaic_0001>
#map = affine_map<(d0, d1) -> (0, 0)>
#map1 = affine_map<(d0, d1) -> (0, 0, 0)>
module attributes {stable_mosaic.version = 14 : i64} {
  func.func @_sc_gather(%arg0: i32, %arg1: i32, %arg2: memref<100000x1024xf32, #tpu.memory_space<hbm>>, %arg3: memref<32x8x32xi32, #tpu.memory_space<hbm>>, %arg4: memref<8192x1024xf32, #tpu.memory_space<hbm>>, %arg5: memref<8x32xi32, #tpu.memory_space<vmem>>, %arg6: memref<32x1024xf32, #tpu.memory_space<vmem>>, %arg7: memref<32x1024xf32, #tpu.memory_space<vmem>>, %arg8: memref<!tpu.dma_semaphore, #tpu.memory_space<semaphore_mem>>, %arg9: memref<!tpu.dma_semaphore, #tpu.memory_space<semaphore_mem>>, %arg10: memref<!tpu.dma_semaphore, #tpu.memory_space<semaphore_mem>>, %arg11: memref<!tpu.dma_semaphore, #tpu.memory_space<semaphore_mem>>) attributes {dimension_semantics = [#tpu.dimension_semantics<core_parallel>, #tpu.dimension_semantics<subcore_parallel>], iteration_bounds = array<i64: 2, 16>, scalar_prefetch = 0 : i64, scratch_operands = 7 : i64, tpu.core_type = #tpu.core_type<sc_vector_subcore>, window_params = [{transform_indices = #map}, {transform_indices = #map1}, {transform_indices = #map}]} {
    %mul3A = arith.constant 2 : i32
    %mul3A_0 = arith.muli %arg1, %mul3A : i32
    %add3A = arith.addi %mul3A_0, %arg0 : i32
    %mul3A_1 = arith.constant 256 : i32
    %mul3A_2 = arith.muli %add3A, %mul3A_1 : i32
    %multiple_of3A = tpu.assume_multiple %mul3A_2, 256 : i32
    "tpu.region"() ({
      %run_scoped3A = tpu.sem_alloc : memref<!tpu.dma_semaphore, #tpu.memory_space<semaphore_mem>>
      %dma_start3A_28 = arith.constant 0 : i32
      %dma_start3A_29 = arith.constant 0 : i32
      %dma_start3A_30 = tpu.memref_slice %arg3[%add3A, %dma_start3A_28, %dma_start3A_29] : memref<32x8x32xi32, #tpu.memory_space<hbm>> -> memref<1x8x32xi32, #tpu.memory_space<hbm>>
      %dma_start3A_31 = tpu.memref_squeeze %dma_start3A_30 : memref<1x8x32xi32, #tpu.memory_space<hbm>> -> memref<8x32xi32, #tpu.memory_space<hbm>>
      %dma_start3A_32 = arith.constant 0 : i32
      %dma_start3A_33 = arith.constant 0 : i32
      %dma_start3A_34 = tpu.memref_slice %arg3[%add3A, %dma_start3A_32, %dma_start3A_33] : memref<32x8x32xi32, #tpu.memory_space<hbm>> -> memref<1x8x32xi32, #tpu.memory_space<hbm>>
      %dma_start3A_35 = tpu.memref_squeeze %dma_start3A_34 : memref<1x8x32xi32, #tpu.memory_space<hbm>> -> memref<8x32xi32, #tpu.memory_space<hbm>>
      tpu.enqueue_dma source(%dma_start3A_35 : memref<8x32xi32, #tpu.memory_space<hbm>>) target(%arg5 : memref<8x32xi32, #tpu.memory_space<vmem>>) target_semaphore(%run_scoped3A : memref<!tpu.dma_semaphore, #tpu.memory_space<semaphore_mem>>)
      %dma_wait3A_36 = arith.constant 0 : i32
      %dma_wait3A_37 = arith.constant 0 : i32
      %dma_wait3A_38 = tpu.memref_slice %arg3[%add3A, %dma_wait3A_36, %dma_wait3A_37] : memref<32x8x32xi32, #tpu.memory_space<hbm>> -> memref<1x8x32xi32, #tpu.memory_space<hbm>>
      %dma_wait3A_39 = tpu.memref_squeeze %dma_wait3A_38 : memref<1x8x32xi32, #tpu.memory_space<hbm>> -> memref<8x32xi32, #tpu.memory_space<hbm>>
      %dma_wait3A_40 = arith.constant 0 : i32
      %dma_wait3A_41 = arith.constant 0 : i32
      %dma_wait3A_42 = tpu.memref_slice %arg3[%add3A, %dma_wait3A_40, %dma_wait3A_41] : memref<32x8x32xi32, #tpu.memory_space<hbm>> -> memref<1x8x32xi32, #tpu.memory_space<hbm>>
      %dma_wait3A_43 = tpu.memref_squeeze %dma_wait3A_42 : memref<1x8x32xi32, #tpu.memory_space<hbm>> -> memref<8x32xi32, #tpu.memory_space<hbm>>
      tpu.wait_dma2 semaphore(%run_scoped3A : memref<!tpu.dma_semaphore, #tpu.memory_space<semaphore_mem>>) src(%dma_wait3A_43 : memref<8x32xi32, #tpu.memory_space<hbm>>) dst(%arg5 : memref<8x32xi32, #tpu.memory_space<vmem>>)
      tpu.yield
    }) : () -> ()
    %dma_start3A = arith.constant 0 : i32
    %dma_start3A_3 = arith.constant 0 : i32
    %dma_start3A_4 = tpu.memref_slice %arg5[%dma_start3A, %dma_start3A_3] : memref<8x32xi32, #tpu.memory_space<vmem>> -> memref<1x32xi32, #tpu.memory_space<vmem>>
    %dma_start3A_5 = tpu.memref_squeeze %dma_start3A_4 : memref<1x32xi32, #tpu.memory_space<vmem>> -> memref<32xi32, #tpu.memory_space<vmem>>
    %dma_start3A_6 = arith.constant 0 : i32
    %dma_start3A_7 = arith.constant 0 : i32
    %dma_start3A_8 = tpu.memref_slice %arg2[%dma_start3A_6, %dma_start3A_7] : memref<100000x1024xf32, #tpu.memory_space<hbm>> -> memref<100000x1024xf32, #tpu.memory_space<hbm>>
    tpu.enqueue_indirect_dma source(%dma_start3A_8 : memref<100000x1024xf32, #tpu.memory_space<hbm>>) target(%arg6 : memref<32x1024xf32, #tpu.memory_space<vmem>>) offsets(%dma_start3A_5 : memref<32xi32, #tpu.memory_space<vmem>>) semaphore(%arg8 : memref<!tpu.dma_semaphore, #tpu.memory_space<semaphore_mem>>)
    %dma_start3A_9 = arith.constant 1 : i32
    %dma_start3A_10 = arith.constant 0 : i32
    %dma_start3A_11 = tpu.memref_slice %arg5[%dma_start3A_9, %dma_start3A_10] : memref<8x32xi32, #tpu.memory_space<vmem>> -> memref<1x32xi32, #tpu.memory_space<vmem>>
    %dma_start3A_12 = tpu.memref_squeeze %dma_start3A_11 : memref<1x32xi32, #tpu.memory_space<vmem>> -> memref<32xi32, #tpu.memory_space<vmem>>
    %dma_start3A_13 = arith.constant 0 : i32
    %dma_start3A_14 = arith.constant 0 : i32
    %dma_start3A_15 = tpu.memref_slice %arg2[%dma_start3A_13, %dma_start3A_14] : memref<100000x1024xf32, #tpu.memory_space<hbm>> -> memref<100000x1024xf32, #tpu.memory_space<hbm>>
    tpu.enqueue_indirect_dma source(%dma_start3A_15 : memref<100000x1024xf32, #tpu.memory_space<hbm>>) target(%arg7 : memref<32x1024xf32, #tpu.memory_space<vmem>>) offsets(%dma_start3A_12 : memref<32xi32, #tpu.memory_space<vmem>>) semaphore(%arg9 : memref<!tpu.dma_semaphore, #tpu.memory_space<semaphore_mem>>)
    %scan3A = arith.constant 0 : i32
    %scan3A_16 = arith.constant 0 : i32
    %scan3A_17 = arith.constant 4 : i32
    %scan3A_18 = arith.addi %scan3A_16, %scan3A_17 : i32
    %scan3A_19 = arith.constant 1 : i32
    scf.for %scan3A_28 = %scan3A_16 to %scan3A_18 step %scan3A_19  : i32 {
      %mul3A_29 = arith.constant 2 : i32
      %mul3A_30 = arith.muli %scan3A_28, %mul3A_29 : i32
      %multiple_of3A_31 = tpu.assume_multiple %mul3A_30, 2 : i32
      %dma_wait3A_32 = arith.constant 0 : i32
      %dma_wait3A_33 = arith.constant 0 : i32
      %dma_wait3A_34 = tpu.memref_slice %arg5[%dma_wait3A_32, %dma_wait3A_33] : memref<8x32xi32, #tpu.memory_space<vmem>> -> memref<1x32xi32, #tpu.memory_space<vmem>>
      %dma_wait3A_35 = tpu.memref_squeeze %dma_wait3A_34 : memref<1x32xi32, #tpu.memory_space<vmem>> -> memref<32xi32, #tpu.memory_space<vmem>>
      %dma_wait3A_36 = arith.constant 0 : i32
      %dma_wait3A_37 = arith.constant 0 : i32
      %dma_wait3A_38 = tpu.memref_slice %arg2[%dma_wait3A_36, %dma_wait3A_37] : memref<100000x1024xf32, #tpu.memory_space<hbm>> -> memref<100000x1024xf32, #tpu.memory_space<hbm>>
      tpu.wait_indirect_dma semaphore(%arg8 : memref<!tpu.dma_semaphore, #tpu.memory_space<semaphore_mem>>) src(%dma_wait3A_38 : memref<100000x1024xf32, #tpu.memory_space<hbm>>) dst(%arg6 : memref<32x1024xf32, #tpu.memory_space<vmem>>)
      %mul3A_39 = arith.constant 32 : i32
      %mul3A_40 = arith.muli %multiple_of3A_31, %mul3A_39 : i32
      %add3A_41 = arith.addi %multiple_of3A, %mul3A_40 : i32
      %dma_start3A_42 = arith.constant 0 : i32
      %dma_start3A_43 = tpu.memref_slice %arg4[%add3A_41, %dma_start3A_42] : memref<8192x1024xf32, #tpu.memory_space<hbm>> -> memref<32x1024xf32, #tpu.memory_space<hbm>>
      %dma_start3A_44 = arith.constant 0 : i32
      %dma_start3A_45 = tpu.memref_slice %arg4[%add3A_41, %dma_start3A_44] : memref<8192x1024xf32, #tpu.memory_space<hbm>> -> memref<32x1024xf32, #tpu.memory_space<hbm>>
      tpu.enqueue_dma source(%arg6 : memref<32x1024xf32, #tpu.memory_space<vmem>>) target(%dma_start3A_45 : memref<32x1024xf32, #tpu.memory_space<hbm>>) target_semaphore(%arg10 : memref<!tpu.dma_semaphore, #tpu.memory_space<semaphore_mem>>)
      %dma_wait3A_46 = arith.constant 0 : i32
      %dma_wait3A_47 = arith.constant 0 : i32
      %dma_wait3A_48 = tpu.memref_slice %arg5[%dma_wait3A_46, %dma_wait3A_47] : memref<8x32xi32, #tpu.memory_space<vmem>> -> memref<1x32xi32, #tpu.memory_space<vmem>>
      %dma_wait3A_49 = tpu.memref_squeeze %dma_wait3A_48 : memref<1x32xi32, #tpu.memory_space<vmem>> -> memref<32xi32, #tpu.memory_space<vmem>>
      %dma_wait3A_50 = arith.constant 0 : i32
      %dma_wait3A_51 = arith.constant 0 : i32
      %dma_wait3A_52 = tpu.memref_slice %arg2[%dma_wait3A_50, %dma_wait3A_51] : memref<100000x1024xf32, #tpu.memory_space<hbm>> -> memref<100000x1024xf32, #tpu.memory_space<hbm>>
      tpu.wait_indirect_dma semaphore(%arg9 : memref<!tpu.dma_semaphore, #tpu.memory_space<semaphore_mem>>) src(%dma_wait3A_52 : memref<100000x1024xf32, #tpu.memory_space<hbm>>) dst(%arg7 : memref<32x1024xf32, #tpu.memory_space<vmem>>)
      %add3A_53 = arith.constant 1 : i32
      %add3A_54 = arith.addi %multiple_of3A_31, %add3A_53 : i32
      %mul3A_55 = arith.constant 32 : i32
      %mul3A_56 = arith.muli %add3A_54, %mul3A_55 : i32
      %add3A_57 = arith.addi %multiple_of3A, %mul3A_56 : i32
      %dma_start3A_58 = arith.constant 0 : i32
      %dma_start3A_59 = tpu.memref_slice %arg4[%add3A_57, %dma_start3A_58] : memref<8192x1024xf32, #tpu.memory_space<hbm>> -> memref<32x1024xf32, #tpu.memory_space<hbm>>
      %dma_start3A_60 = arith.constant 0 : i32
      %dma_start3A_61 = tpu.memref_slice %arg4[%add3A_57, %dma_start3A_60] : memref<8192x1024xf32, #tpu.memory_space<hbm>> -> memref<32x1024xf32, #tpu.memory_space<hbm>>
      tpu.enqueue_dma source(%arg7 : memref<32x1024xf32, #tpu.memory_space<vmem>>) target(%dma_start3A_61 : memref<32x1024xf32, #tpu.memory_space<hbm>>) target_semaphore(%arg11 : memref<!tpu.dma_semaphore, #tpu.memory_space<semaphore_mem>>)
      %add3A_62 = arith.constant 1 : i32
      %add3A_63 = arith.addi %scan3A_28, %add3A_62 : i32
      %lt3A = arith.constant 4 : i32
      %lt3A_64 = arith.cmpi slt, %add3A_63, %lt3A : i32
      %convert_element_type3A = arith.extui %lt3A_64 : i1 to i32
      %cond3A = arith.constant 0 : i32
      %cond3A_65 = arith.cmpi ne, %convert_element_type3A, %cond3A : i32
      scf.if %cond3A_65 {
        %dma_wait3A_66 = arith.constant 0 : i32
        %dma_wait3A_67 = tpu.memref_slice %arg4[%multiple_of3A, %dma_wait3A_66] : memref<8192x1024xf32, #tpu.memory_space<hbm>> -> memref<32x1024xf32, #tpu.memory_space<hbm>>
        %dma_wait3A_68 = arith.constant 0 : i32
        %dma_wait3A_69 = tpu.memref_slice %arg4[%multiple_of3A, %dma_wait3A_68] : memref<8192x1024xf32, #tpu.memory_space<hbm>> -> memref<32x1024xf32, #tpu.memory_space<hbm>>
        tpu.wait_dma2 semaphore(%arg10 : memref<!tpu.dma_semaphore, #tpu.memory_space<semaphore_mem>>) src(%arg6 : memref<32x1024xf32, #tpu.memory_space<vmem>>) dst(%dma_wait3A_69 : memref<32x1024xf32, #tpu.memory_space<hbm>>)
        %add3A_70 = arith.constant 2 : i32
        %add3A_71 = arith.addi %multiple_of3A_31, %add3A_70 : i32
        %dma_start3A_72 = arith.constant 0 : i32
        %dma_start3A_73 = tpu.memref_slice %arg5[%add3A_71, %dma_start3A_72] : memref<8x32xi32, #tpu.memory_space<vmem>> -> memref<1x32xi32, #tpu.memory_space<vmem>>
        %dma_start3A_74 = tpu.memref_squeeze %dma_start3A_73 : memref<1x32xi32, #tpu.memory_space<vmem>> -> memref<32xi32, #tpu.memory_space<vmem>>
        %dma_start3A_75 = arith.constant 0 : i32
        %dma_start3A_76 = arith.constant 0 : i32
        %dma_start3A_77 = tpu.memref_slice %arg2[%dma_start3A_75, %dma_start3A_76] : memref<100000x1024xf32, #tpu.memory_space<hbm>> -> memref<100000x1024xf32, #tpu.memory_space<hbm>>
        tpu.enqueue_indirect_dma source(%dma_start3A_77 : memref<100000x1024xf32, #tpu.memory_space<hbm>>) target(%arg6 : memref<32x1024xf32, #tpu.memory_space<vmem>>) offsets(%dma_start3A_74 : memref<32xi32, #tpu.memory_space<vmem>>) semaphore(%arg8 : memref<!tpu.dma_semaphore, #tpu.memory_space<semaphore_mem>>)
        %dma_wait3A_78 = arith.constant 0 : i32
        %dma_wait3A_79 = tpu.memref_slice %arg4[%multiple_of3A, %dma_wait3A_78] : memref<8192x1024xf32, #tpu.memory_space<hbm>> -> memref<32x1024xf32, #tpu.memory_space<hbm>>
        %dma_wait3A_80 = arith.constant 0 : i32
        %dma_wait3A_81 = tpu.memref_slice %arg4[%multiple_of3A, %dma_wait3A_80] : memref<8192x1024xf32, #tpu.memory_space<hbm>> -> memref<32x1024xf32, #tpu.memory_space<hbm>>
        tpu.wait_dma2 semaphore(%arg11 : memref<!tpu.dma_semaphore, #tpu.memory_space<semaphore_mem>>) src(%arg7 : memref<32x1024xf32, #tpu.memory_space<vmem>>) dst(%dma_wait3A_81 : memref<32x1024xf32, #tpu.memory_space<hbm>>)
        %add3A_82 = arith.constant 3 : i32
        %add3A_83 = arith.addi %multiple_of3A_31, %add3A_82 : i32
        %dma_start3A_84 = arith.constant 0 : i32
        %dma_start3A_85 = tpu.memref_slice %arg5[%add3A_83, %dma_start3A_84] : memref<8x32xi32, #tpu.memory_space<vmem>> -> memref<1x32xi32, #tpu.memory_space<vmem>>
        %dma_start3A_86 = tpu.memref_squeeze %dma_start3A_85 : memref<1x32xi32, #tpu.memory_space<vmem>> -> memref<32xi32, #tpu.memory_space<vmem>>
        %dma_start3A_87 = arith.constant 0 : i32
        %dma_start3A_88 = arith.constant 0 : i32
        %dma_start3A_89 = tpu.memref_slice %arg2[%dma_start3A_87, %dma_start3A_88] : memref<100000x1024xf32, #tpu.memory_space<hbm>> -> memref<100000x1024xf32, #tpu.memory_space<hbm>>
        tpu.enqueue_indirect_dma source(%dma_start3A_89 : memref<100000x1024xf32, #tpu.memory_space<hbm>>) target(%arg7 : memref<32x1024xf32, #tpu.memory_space<vmem>>) offsets(%dma_start3A_86 : memref<32xi32, #tpu.memory_space<vmem>>) semaphore(%arg9 : memref<!tpu.dma_semaphore, #tpu.memory_space<semaphore_mem>>)
      } else {
      }
    }
    %scan3A_20 = arith.constant 4 : i32
    %dma_wait3A = arith.constant 0 : i32
    %dma_wait3A_21 = tpu.memref_slice %arg4[%multiple_of3A, %dma_wait3A] : memref<8192x1024xf32, #tpu.memory_space<hbm>> -> memref<32x1024xf32, #tpu.memory_space<hbm>>
    %dma_wait3A_22 = arith.constant 0 : i32
    %dma_wait3A_23 = tpu.memref_slice %arg4[%multiple_of3A, %dma_wait3A_22] : memref<8192x1024xf32, #tpu.memory_space<hbm>> -> memref<32x1024xf32, #tpu.memory_space<hbm>>
    tpu.wait_dma2 semaphore(%arg10 : memref<!tpu.dma_semaphore, #tpu.memory_space<semaphore_mem>>) src(%arg6 : memref<32x1024xf32, #tpu.memory_space<vmem>>) dst(%dma_wait3A_23 : memref<32x1024xf32, #tpu.memory_space<hbm>>)
    %dma_wait3A_24 = arith.constant 0 : i32
    %dma_wait3A_25 = tpu.memref_slice %arg4[%multiple_of3A, %dma_wait3A_24] : memref<8192x1024xf32, #tpu.memory_space<hbm>> -> memref<32x1024xf32, #tpu.memory_space<hbm>>
    %dma_wait3A_26 = arith.constant 0 : i32
    %dma_wait3A_27 = tpu.memref_slice %arg4[%multiple_of3A, %dma_wait3A_26] : memref<8192x1024xf32, #tpu.memory_space<hbm>> -> memref<32x1024xf32, #tpu.memory_space<hbm>>
    tpu.wait_dma2 semaphore(%arg11 : memref<!tpu.dma_semaphore, #tpu.memory_space<semaphore_mem>>) src(%arg7 : memref<32x1024xf32, #tpu.memory_space<vmem>>) dst(%dma_wait3A_27 : memref<32x1024xf32, #tpu.memory_space<hbm>>)
    return
  }
}

module attributes {stable_mosaic.version = 14 : i64} {
  func.func @_mask_rope_body(%arg0: i32, %arg1: memref<4x2048xf32, #tpu.memory_space<vmem>>, %arg2: memref<1x2048xi32, #tpu.memory_space<vmem>>, %arg3: memref<64x1xf32, #tpu.memory_space<vmem>>, %arg4: memref<4x2048xi32, #tpu.memory_space<vmem>>, %arg5: memref<1x4xf32, #tpu.memory_space<vmem>>, %arg6: memref<4x1x2048x2048xf32, #tpu.memory_space<any>>, %arg7: memref<1x64x2048xf32, #tpu.memory_space<vmem>>, %arg8: memref<1x64x2048xf32, #tpu.memory_space<vmem>>, %arg9: memref<4x2048xi32, #tpu.memory_space<vmem>>, %arg10: memref<1x4xf32, #tpu.memory_space<vmem>>, %arg11: memref<8x256x2048xf32, #tpu.memory_space<vmem>>, %arg12: memref<8x!tpu.dma_semaphore, #tpu.memory_space<semaphore_mem>>) attributes {dimension_semantics = [#tpu.dimension_semantics<arbitrary>], iteration_bounds = array<i64: 8>, scalar_prefetch = 0 : i64, scratch_operands = 2 : i64, tpu.core_type = #tpu.core_type<tc>, window_params = [{pipeline_mode = #tpu.pipeline_mode<synchronous>, transform_indices = @transform_0, window_bounds = array<i64: 4, 2048>}, {pipeline_mode = #tpu.pipeline_mode<synchronous>, transform_indices = @transform_1, window_bounds = array<i64: 1, 2048>}, {pipeline_mode = #tpu.pipeline_mode<synchronous>, transform_indices = @transform_2, window_bounds = array<i64: 64, 1>}, {pipeline_mode = #tpu.pipeline_mode<synchronous>, transform_indices = @transform_3, window_bounds = array<i64: 4, 2048>}, {pipeline_mode = #tpu.pipeline_mode<synchronous>, transform_indices = @transform_4, window_bounds = array<i64: 1, 4>}, {}, {pipeline_mode = #tpu.pipeline_mode<synchronous>, transform_indices = @transform_6, window_bounds = array<i64: 1, 64, 2048>}, {pipeline_mode = #tpu.pipeline_mode<synchronous>, transform_indices = @transform_7, window_bounds = array<i64: 1, 64, 2048>}, {pipeline_mode = #tpu.pipeline_mode<synchronous>, transform_indices = @transform_8, window_bounds = array<i64: 4, 2048>}, {pipeline_mode = #tpu.pipeline_mode<synchronous>, transform_indices = @transform_9, window_bounds = array<i64: 1, 4>}]} {
    %iota3A = tpu.iota {dimensions = array<i32: 0>} : vector<256x2048xi32>
    %iota3A_0 = tpu.iota {dimensions = array<i32: 1>} : vector<256x2048xi32>
    %sub3A = arith.subi %iota3A_0, %iota3A : vector<256x2048xi32>
    %mul3A = arith.constant 256 : i32
    %mul3A_1 = arith.muli %arg0, %mul3A : i32
    %gt3A = vector.broadcast %mul3A_1 : i32 to vector<256x2048xi32>
    %gt3A_2 = arith.cmpi sgt, %sub3A, %gt3A : vector<256x2048xi32>
    %jit3A = arith.constant -3.40282347E+38 : f32
    %jit3A_3 = arith.constant 0.000000e+00 : f32
    %broadcast_in_dim3A = vector.broadcast %jit3A : f32 to vector<256x2048xf32>
    %broadcast_in_dim3A_4 = vector.broadcast %jit3A_3 : f32 to vector<256x2048xf32>
    %select_n3A = arith.select %gt3A_2, %broadcast_in_dim3A, %broadcast_in_dim3A_4 : vector<256x2048xi1>, vector<256x2048xf32>
    %jit3A_5 = arith.constant 2 : i32
    %eq3A = arith.constant 0 : i32
    %eq3A_6 = arith.cmpi eq, %jit3A_5, %eq3A : i32
    %jit3A_7 = arith.constant 1 : i32
    %select_n3A_8 = arith.select %eq3A_6, %jit3A_7, %jit3A_5 : i32
    %rem3A = arith.remsi %arg0, %select_n3A_8 : i32
    %ne3A = arith.constant 0 : i32
    %ne3A_9 = arith.cmpi ne, %rem3A, %ne3A : i32
    %lt3A = arith.constant 0 : i32
    %lt3A_10 = arith.cmpi slt, %rem3A, %lt3A : i32
    %lt3A_11 = arith.constant 0 : i32
    %lt3A_12 = arith.cmpi slt, %select_n3A_8, %lt3A_11 : i32
    %ne3A_13 = arith.xori %lt3A_10, %lt3A_12 : i1
    %and3A = arith.andi %ne3A_13, %ne3A_9 : i1
    %add3A = arith.addi %rem3A, %select_n3A_8 : i32
    %select_n3A_14 = arith.select %and3A, %add3A, %rem3A : i32
    %mul3A_15 = arith.constant 4 : i32
    %mul3A_16 = arith.muli %select_n3A_14, %mul3A_15 : i32
    %add3A_17 = arith.constant 0 : i32
    %add3A_18 = arith.addi %mul3A_16, %add3A_17 : i32
    %ge3A = arith.constant 2 : i32
    %ge3A_19 = arith.cmpi sge, %arg0, %ge3A : i32
    %convert_element_type3A = arith.extui %ge3A_19 : i1 to i32
    %cond3A = arith.constant 0 : i32
    %cond3A_20 = arith.cmpi ne, %convert_element_type3A, %cond3A : i32
    scf.if %cond3A_20 {
      %dma_wait3A = arith.constant 0 : i32
      %dma_wait3A_190 = arith.constant 0 : i32
      %dma_wait3A_191 = tpu.memref_slice %arg12[%add3A_18] : memref<8x!tpu.dma_semaphore, #tpu.memory_space<semaphore_mem>> -> memref<1x!tpu.dma_semaphore, #tpu.memory_space<semaphore_mem>>
      %dma_wait3A_192 = tpu.memref_squeeze %dma_wait3A_191 : memref<1x!tpu.dma_semaphore, #tpu.memory_space<semaphore_mem>> -> memref<!tpu.dma_semaphore, #tpu.memory_space<semaphore_mem>>
      %dma_wait3A_193 = arith.constant 0 : i32
      %dma_wait3A_194 = arith.constant 0 : i32
      %dma_wait3A_195 = tpu.memref_slice %arg6[%dma_wait3A, %dma_wait3A_190, %dma_wait3A_193, %dma_wait3A_194] : memref<4x1x2048x2048xf32, #tpu.memory_space<any>> -> memref<1x1x256x2048xf32, #tpu.memory_space<any>>
      %dma_wait3A_196 = tpu.memref_squeeze %dma_wait3A_195 : memref<1x1x256x2048xf32, #tpu.memory_space<any>> -> memref<256x2048xf32, #tpu.memory_space<any>>
      %dma_wait3A_197 = arith.constant 0 : i32
      %dma_wait3A_198 = arith.constant 0 : i32
      %dma_wait3A_199 = tpu.memref_slice %arg11[%add3A_18, %dma_wait3A_197, %dma_wait3A_198] : memref<8x256x2048xf32, #tpu.memory_space<vmem>> -> memref<1x256x2048xf32, #tpu.memory_space<vmem>>
      %dma_wait3A_200 = tpu.memref_squeeze %dma_wait3A_199 : memref<1x256x2048xf32, #tpu.memory_space<vmem>> -> memref<256x2048xf32, #tpu.memory_space<vmem>>
      tpu.wait_dma2 semaphore(%dma_wait3A_192 : memref<!tpu.dma_semaphore, #tpu.memory_space<semaphore_mem>>) src(%dma_wait3A_200 : memref<256x2048xf32, #tpu.memory_space<vmem>>) dst(%dma_wait3A_196 : memref<256x2048xf32, #tpu.memory_space<any>>)
    } else {
    }
    %get3A = arith.constant 0 : index
    %get3A_21 = arith.constant 0 : index
    %get3A_22 = vector.load %arg1[%get3A, %get3A_21] : memref<4x2048xf32, #tpu.memory_space<vmem>>, vector<1x2048xf32>
    %get3A_23 = vector.shape_cast %get3A_22 : vector<1x2048xf32> to vector<2048xf32>
    %broadcast_in_dim3A_24 = vector.shape_cast %get3A_23 : vector<2048xf32> to vector<1x2048xf32>
    %eq3A_25 = arith.constant 0.000000e+00 : f32
    %eq3A_26 = vector.broadcast %eq3A_25 : f32 to vector<1x2048xf32>
    %eq3A_27 = arith.cmpf oeq, %broadcast_in_dim3A_24, %eq3A_26 : vector<1x2048xf32>
    %jit3A_28 = arith.constant -3.40282347E+38 : f32
    %jit3A_29 = arith.constant 0.000000e+00 : f32
    %broadcast_in_dim3A_30 = vector.broadcast %jit3A_28 : f32 to vector<1x2048xf32>
    %broadcast_in_dim3A_31 = vector.broadcast %jit3A_29 : f32 to vector<1x2048xf32>
    %select_n3A_32 = arith.select %eq3A_27, %broadcast_in_dim3A_30, %broadcast_in_dim3A_31 : vector<1x2048xi1>, vector<1x2048xf32>
    %min3A = vector.broadcast %select_n3A_32 : vector<1x2048xf32> to vector<256x2048xf32>
    %min3A_33 = arith.minimumf %select_n3A, %min3A : vector<256x2048xf32>
    %swap3A = arith.index_cast %add3A_18 : i32 to index
    %swap3A_34 = arith.constant 0 : index
    %swap3A_35 = arith.constant 0 : index
    %swap3A_36 = vector.load %arg11[%swap3A, %swap3A_34, %swap3A_35] : memref<8x256x2048xf32, #tpu.memory_space<vmem>>, vector<1x256x2048xf32>
    %swap3A_37 = vector.shape_cast %swap3A_36 : vector<1x256x2048xf32> to vector<256x2048xf32>
    %swap3A_38 = vector.shape_cast %min3A_33 : vector<256x2048xf32> to vector<1x256x2048xf32>
    tpu.vector_store %arg11[%swap3A, %swap3A_34, %swap3A_35], %swap3A_38 {strides = array<i32>} : memref<8x256x2048xf32, #tpu.memory_space<vmem>>, vector<1x256x2048xf32>,
    %mul3A_39 = arith.constant 256 : i32
    %mul3A_40 = arith.muli %arg0, %mul3A_39 : i32
    %dma_start3A = arith.constant 0 : i32
    %dma_start3A_41 = arith.constant 0 : i32
    %dma_start3A_42 = tpu.memref_slice %arg12[%add3A_18] : memref<8x!tpu.dma_semaphore, #tpu.memory_space<semaphore_mem>> -> memref<1x!tpu.dma_semaphore, #tpu.memory_space<semaphore_mem>>
    %dma_start3A_43 = tpu.memref_squeeze %dma_start3A_42 : memref<1x!tpu.dma_semaphore, #tpu.memory_space<semaphore_mem>> -> memref<!tpu.dma_semaphore, #tpu.memory_space<semaphore_mem>>
    %dma_start3A_44 = arith.constant 0 : i32
    %dma_start3A_45 = tpu.memref_slice %arg6[%dma_start3A, %dma_start3A_41, %mul3A_40, %dma_start3A_44] : memref<4x1x2048x2048xf32, #tpu.memory_space<any>> -> memref<1x1x256x2048xf32, #tpu.memory_space<any>>
    %dma_start3A_46 = tpu.memref_squeeze %dma_start3A_45 : memref<1x1x256x2048xf32, #tpu.memory_space<any>> -> memref<256x2048xf32, #tpu.memory_space<any>>
    %dma_start3A_47 = arith.constant 0 : i32
    %dma_start3A_48 = arith.constant 0 : i32
    %dma_start3A_49 = tpu.memref_slice %arg11[%add3A_18, %dma_start3A_47, %dma_start3A_48] : memref<8x256x2048xf32, #tpu.memory_space<vmem>> -> memref<1x256x2048xf32, #tpu.memory_space<vmem>>
    %dma_start3A_50 = tpu.memref_squeeze %dma_start3A_49 : memref<1x256x2048xf32, #tpu.memory_space<vmem>> -> memref<256x2048xf32, #tpu.memory_space<vmem>>
    tpu.enqueue_dma source(%dma_start3A_50 : memref<256x2048xf32, #tpu.memory_space<vmem>>) target(%dma_start3A_46 : memref<256x2048xf32, #tpu.memory_space<any>>) target_semaphore(%dma_start3A_43 : memref<!tpu.dma_semaphore, #tpu.memory_space<semaphore_mem>>)
    %mul3A_51 = arith.constant 4 : i32
    %mul3A_52 = arith.muli %select_n3A_14, %mul3A_51 : i32
    %add3A_53 = arith.constant 1 : i32
    %add3A_54 = arith.addi %mul3A_52, %add3A_53 : i32
    %ge3A_55 = arith.constant 2 : i32
    %ge3A_56 = arith.cmpi sge, %arg0, %ge3A_55 : i32
    %convert_element_type3A_57 = arith.extui %ge3A_56 : i1 to i32
    %cond3A_58 = arith.constant 0 : i32
    %cond3A_59 = arith.cmpi ne, %convert_element_type3A_57, %cond3A_58 : i32
    scf.if %cond3A_59 {
      %dma_wait3A = arith.constant 1 : i32
      %dma_wait3A_190 = arith.constant 0 : i32
      %dma_wait3A_191 = tpu.memref_slice %arg12[%add3A_54] : memref<8x!tpu.dma_semaphore, #tpu.memory_space<semaphore_mem>> -> memref<1x!tpu.dma_semaphore, #tpu.memory_space<semaphore_mem>>
      %dma_wait3A_192 = tpu.memref_squeeze %dma_wait3A_191 : memref<1x!tpu.dma_semaphore, #tpu.memory_space<semaphore_mem>> -> memref<!tpu.dma_semaphore, #tpu.memory_space<semaphore_mem>>
      %dma_wait3A_193 = arith.constant 0 : i32
      %dma_wait3A_194 = arith.constant 0 : i32
      %dma_wait3A_195 = tpu.memref_slice %arg6[%dma_wait3A, %dma_wait3A_190, %dma_wait3A_193, %dma_wait3A_194] : memref<4x1x2048x2048xf32, #tpu.memory_space<any>> -> memref<1x1x256x2048xf32, #tpu.memory_space<any>>
      %dma_wait3A_196 = tpu.memref_squeeze %dma_wait3A_195 : memref<1x1x256x2048xf32, #tpu.memory_space<any>> -> memref<256x2048xf32, #tpu.memory_space<any>>
      %dma_wait3A_197 = arith.constant 0 : i32
      %dma_wait3A_198 = arith.constant 0 : i32
      %dma_wait3A_199 = tpu.memref_slice %arg11[%add3A_54, %dma_wait3A_197, %dma_wait3A_198] : memref<8x256x2048xf32, #tpu.memory_space<vmem>> -> memref<1x256x2048xf32, #tpu.memory_space<vmem>>
      %dma_wait3A_200 = tpu.memref_squeeze %dma_wait3A_199 : memref<1x256x2048xf32, #tpu.memory_space<vmem>> -> memref<256x2048xf32, #tpu.memory_space<vmem>>
      tpu.wait_dma2 semaphore(%dma_wait3A_192 : memref<!tpu.dma_semaphore, #tpu.memory_space<semaphore_mem>>) src(%dma_wait3A_200 : memref<256x2048xf32, #tpu.memory_space<vmem>>) dst(%dma_wait3A_196 : memref<256x2048xf32, #tpu.memory_space<any>>)
    } else {
    }
    %get3A_60 = arith.constant 1 : index
    %get3A_61 = arith.constant 0 : index
    %get3A_62 = vector.load %arg1[%get3A_60, %get3A_61] : memref<4x2048xf32, #tpu.memory_space<vmem>>, vector<1x2048xf32>
    %get3A_63 = vector.shape_cast %get3A_62 : vector<1x2048xf32> to vector<2048xf32>
    %broadcast_in_dim3A_64 = vector.shape_cast %get3A_63 : vector<2048xf32> to vector<1x2048xf32>
    %eq3A_65 = arith.constant 0.000000e+00 : f32
    %eq3A_66 = vector.broadcast %eq3A_65 : f32 to vector<1x2048xf32>
    %eq3A_67 = arith.cmpf oeq, %broadcast_in_dim3A_64, %eq3A_66 : vector<1x2048xf32>
    %jit3A_68 = arith.constant -3.40282347E+38 : f32
    %jit3A_69 = arith.constant 0.000000e+00 : f32
    %broadcast_in_dim3A_70 = vector.broadcast %jit3A_68 : f32 to vector<1x2048xf32>
    %broadcast_in_dim3A_71 = vector.broadcast %jit3A_69 : f32 to vector<1x2048xf32>
    %select_n3A_72 = arith.select %eq3A_67, %broadcast_in_dim3A_70, %broadcast_in_dim3A_71 : vector<1x2048xi1>, vector<1x2048xf32>
    %min3A_73 = vector.broadcast %select_n3A_72 : vector<1x2048xf32> to vector<256x2048xf32>
    %min3A_74 = arith.minimumf %select_n3A, %min3A_73 : vector<256x2048xf32>
    %swap3A_75 = arith.index_cast %add3A_54 : i32 to index
    %swap3A_76 = arith.constant 0 : index
    %swap3A_77 = arith.constant 0 : index
    %swap3A_78 = vector.load %arg11[%swap3A_75, %swap3A_76, %swap3A_77] : memref<8x256x2048xf32, #tpu.memory_space<vmem>>, vector<1x256x2048xf32>
    %swap3A_79 = vector.shape_cast %swap3A_78 : vector<1x256x2048xf32> to vector<256x2048xf32>
    %swap3A_80 = vector.shape_cast %min3A_74 : vector<256x2048xf32> to vector<1x256x2048xf32>
    tpu.vector_store %arg11[%swap3A_75, %swap3A_76, %swap3A_77], %swap3A_80 {strides = array<i32>} : memref<8x256x2048xf32, #tpu.memory_space<vmem>>, vector<1x256x2048xf32>,
    %mul3A_81 = arith.constant 256 : i32
    %mul3A_82 = arith.muli %arg0, %mul3A_81 : i32
    %dma_start3A_83 = arith.constant 1 : i32
    %dma_start3A_84 = arith.constant 0 : i32
    %dma_start3A_85 = tpu.memref_slice %arg12[%add3A_54] : memref<8x!tpu.dma_semaphore, #tpu.memory_space<semaphore_mem>> -> memref<1x!tpu.dma_semaphore, #tpu.memory_space<semaphore_mem>>
    %dma_start3A_86 = tpu.memref_squeeze %dma_start3A_85 : memref<1x!tpu.dma_semaphore, #tpu.memory_space<semaphore_mem>> -> memref<!tpu.dma_semaphore, #tpu.memory_space<semaphore_mem>>
    %dma_start3A_87 = arith.constant 0 : i32
    %dma_start3A_88 = tpu.memref_slice %arg6[%dma_start3A_83, %dma_start3A_84, %mul3A_82, %dma_start3A_87] : memref<4x1x2048x2048xf32, #tpu.memory_space<any>> -> memref<1x1x256x2048xf32, #tpu.memory_space<any>>
    %dma_start3A_89 = tpu.memref_squeeze %dma_start3A_88 : memref<1x1x256x2048xf32, #tpu.memory_space<any>> -> memref<256x2048xf32, #tpu.memory_space<any>>
    %dma_start3A_90 = arith.constant 0 : i32
    %dma_start3A_91 = arith.constant 0 : i32
    %dma_start3A_92 = tpu.memref_slice %arg11[%add3A_54, %dma_start3A_90, %dma_start3A_91] : memref<8x256x2048xf32, #tpu.memory_space<vmem>> -> memref<1x256x2048xf32, #tpu.memory_space<vmem>>
    %dma_start3A_93 = tpu.memref_squeeze %dma_start3A_92 : memref<1x256x2048xf32, #tpu.memory_space<vmem>> -> memref<256x2048xf32, #tpu.memory_space<vmem>>
    tpu.enqueue_dma source(%dma_start3A_93 : memref<256x2048xf32, #tpu.memory_space<vmem>>) target(%dma_start3A_89 : memref<256x2048xf32, #tpu.memory_space<any>>) target_semaphore(%dma_start3A_86 : memref<!tpu.dma_semaphore, #tpu.memory_space<semaphore_mem>>)
    %mul3A_94 = arith.constant 4 : i32
    %mul3A_95 = arith.muli %select_n3A_14, %mul3A_94 : i32
    %add3A_96 = arith.constant 2 : i32
    %add3A_97 = arith.addi %mul3A_95, %add3A_96 : i32
    %ge3A_98 = arith.constant 2 : i32
    %ge3A_99 = arith.cmpi sge, %arg0, %ge3A_98 : i32
    %convert_element_type3A_100 = arith.extui %ge3A_99 : i1 to i32
    %cond3A_101 = arith.constant 0 : i32
    %cond3A_102 = arith.cmpi ne, %convert_element_type3A_100, %cond3A_101 : i32
    scf.if %cond3A_102 {
      %dma_wait3A = arith.constant 2 : i32
      %dma_wait3A_190 = arith.constant 0 : i32
      %dma_wait3A_191 = tpu.memref_slice %arg12[%add3A_97] : memref<8x!tpu.dma_semaphore, #tpu.memory_space<semaphore_mem>> -> memref<1x!tpu.dma_semaphore, #tpu.memory_space<semaphore_mem>>
      %dma_wait3A_192 = tpu.memref_squeeze %dma_wait3A_191 : memref<1x!tpu.dma_semaphore, #tpu.memory_space<semaphore_mem>> -> memref<!tpu.dma_semaphore, #tpu.memory_space<semaphore_mem>>
      %dma_wait3A_193 = arith.constant 0 : i32
      %dma_wait3A_194 = arith.constant 0 : i32
      %dma_wait3A_195 = tpu.memref_slice %arg6[%dma_wait3A, %dma_wait3A_190, %dma_wait3A_193, %dma_wait3A_194] : memref<4x1x2048x2048xf32, #tpu.memory_space<any>> -> memref<1x1x256x2048xf32, #tpu.memory_space<any>>
      %dma_wait3A_196 = tpu.memref_squeeze %dma_wait3A_195 : memref<1x1x256x2048xf32, #tpu.memory_space<any>> -> memref<256x2048xf32, #tpu.memory_space<any>>
      %dma_wait3A_197 = arith.constant 0 : i32
      %dma_wait3A_198 = arith.constant 0 : i32
      %dma_wait3A_199 = tpu.memref_slice %arg11[%add3A_97, %dma_wait3A_197, %dma_wait3A_198] : memref<8x256x2048xf32, #tpu.memory_space<vmem>> -> memref<1x256x2048xf32, #tpu.memory_space<vmem>>
      %dma_wait3A_200 = tpu.memref_squeeze %dma_wait3A_199 : memref<1x256x2048xf32, #tpu.memory_space<vmem>> -> memref<256x2048xf32, #tpu.memory_space<vmem>>
      tpu.wait_dma2 semaphore(%dma_wait3A_192 : memref<!tpu.dma_semaphore, #tpu.memory_space<semaphore_mem>>) src(%dma_wait3A_200 : memref<256x2048xf32, #tpu.memory_space<vmem>>) dst(%dma_wait3A_196 : memref<256x2048xf32, #tpu.memory_space<any>>)
    } else {
    }
    %get3A_103 = arith.constant 2 : index
    %get3A_104 = arith.constant 0 : index
    %get3A_105 = vector.load %arg1[%get3A_103, %get3A_104] : memref<4x2048xf32, #tpu.memory_space<vmem>>, vector<1x2048xf32>
    %get3A_106 = vector.shape_cast %get3A_105 : vector<1x2048xf32> to vector<2048xf32>
    %broadcast_in_dim3A_107 = vector.shape_cast %get3A_106 : vector<2048xf32> to vector<1x2048xf32>
    %eq3A_108 = arith.constant 0.000000e+00 : f32
    %eq3A_109 = vector.broadcast %eq3A_108 : f32 to vector<1x2048xf32>
    %eq3A_110 = arith.cmpf oeq, %broadcast_in_dim3A_107, %eq3A_109 : vector<1x2048xf32>
    %jit3A_111 = arith.constant -3.40282347E+38 : f32
    %jit3A_112 = arith.constant 0.000000e+00 : f32
    %broadcast_in_dim3A_113 = vector.broadcast %jit3A_111 : f32 to vector<1x2048xf32>
    %broadcast_in_dim3A_114 = vector.broadcast %jit3A_112 : f32 to vector<1x2048xf32>
    %select_n3A_115 = arith.select %eq3A_110, %broadcast_in_dim3A_113, %broadcast_in_dim3A_114 : vector<1x2048xi1>, vector<1x2048xf32>
    %min3A_116 = vector.broadcast %select_n3A_115 : vector<1x2048xf32> to vector<256x2048xf32>
    %min3A_117 = arith.minimumf %select_n3A, %min3A_116 : vector<256x2048xf32>
    %swap3A_118 = arith.index_cast %add3A_97 : i32 to index
    %swap3A_119 = arith.constant 0 : index
    %swap3A_120 = arith.constant 0 : index
    %swap3A_121 = vector.load %arg11[%swap3A_118, %swap3A_119, %swap3A_120] : memref<8x256x2048xf32, #tpu.memory_space<vmem>>, vector<1x256x2048xf32>
    %swap3A_122 = vector.shape_cast %swap3A_121 : vector<1x256x2048xf32> to vector<256x2048xf32>
    %swap3A_123 = vector.shape_cast %min3A_117 : vector<256x2048xf32> to vector<1x256x2048xf32>
    tpu.vector_store %arg11[%swap3A_118, %swap3A_119, %swap3A_120], %swap3A_123 {strides = array<i32>} : memref<8x256x2048xf32, #tpu.memory_space<vmem>>, vector<1x256x2048xf32>,
    %mul3A_124 = arith.constant 256 : i32
    %mul3A_125 = arith.muli %arg0, %mul3A_124 : i32
    %dma_start3A_126 = arith.constant 2 : i32
    %dma_start3A_127 = arith.constant 0 : i32
    %dma_start3A_128 = tpu.memref_slice %arg12[%add3A_97] : memref<8x!tpu.dma_semaphore, #tpu.memory_space<semaphore_mem>> -> memref<1x!tpu.dma_semaphore, #tpu.memory_space<semaphore_mem>>
    %dma_start3A_129 = tpu.memref_squeeze %dma_start3A_128 : memref<1x!tpu.dma_semaphore, #tpu.memory_space<semaphore_mem>> -> memref<!tpu.dma_semaphore, #tpu.memory_space<semaphore_mem>>
    %dma_start3A_130 = arith.constant 0 : i32
    %dma_start3A_131 = tpu.memref_slice %arg6[%dma_start3A_126, %dma_start3A_127, %mul3A_125, %dma_start3A_130] : memref<4x1x2048x2048xf32, #tpu.memory_space<any>> -> memref<1x1x256x2048xf32, #tpu.memory_space<any>>
    %dma_start3A_132 = tpu.memref_squeeze %dma_start3A_131 : memref<1x1x256x2048xf32, #tpu.memory_space<any>> -> memref<256x2048xf32, #tpu.memory_space<any>>
    %dma_start3A_133 = arith.constant 0 : i32
    %dma_start3A_134 = arith.constant 0 : i32
    %dma_start3A_135 = tpu.memref_slice %arg11[%add3A_97, %dma_start3A_133, %dma_start3A_134] : memref<8x256x2048xf32, #tpu.memory_space<vmem>> -> memref<1x256x2048xf32, #tpu.memory_space<vmem>>
    %dma_start3A_136 = tpu.memref_squeeze %dma_start3A_135 : memref<1x256x2048xf32, #tpu.memory_space<vmem>> -> memref<256x2048xf32, #tpu.memory_space<vmem>>
    tpu.enqueue_dma source(%dma_start3A_136 : memref<256x2048xf32, #tpu.memory_space<vmem>>) target(%dma_start3A_132 : memref<256x2048xf32, #tpu.memory_space<any>>) target_semaphore(%dma_start3A_129 : memref<!tpu.dma_semaphore, #tpu.memory_space<semaphore_mem>>)
    %mul3A_137 = arith.constant 4 : i32
    %mul3A_138 = arith.muli %select_n3A_14, %mul3A_137 : i32
    %add3A_139 = arith.constant 3 : i32
    %add3A_140 = arith.addi %mul3A_138, %add3A_139 : i32
    %ge3A_141 = arith.constant 2 : i32
    %ge3A_142 = arith.cmpi sge, %arg0, %ge3A_141 : i32
    %convert_element_type3A_143 = arith.extui %ge3A_142 : i1 to i32
    %cond3A_144 = arith.constant 0 : i32
    %cond3A_145 = arith.cmpi ne, %convert_element_type3A_143, %cond3A_144 : i32
    scf.if %cond3A_145 {
      %dma_wait3A = arith.constant 3 : i32
      %dma_wait3A_190 = arith.constant 0 : i32
      %dma_wait3A_191 = tpu.memref_slice %arg12[%add3A_140] : memref<8x!tpu.dma_semaphore, #tpu.memory_space<semaphore_mem>> -> memref<1x!tpu.dma_semaphore, #tpu.memory_space<semaphore_mem>>
      %dma_wait3A_192 = tpu.memref_squeeze %dma_wait3A_191 : memref<1x!tpu.dma_semaphore, #tpu.memory_space<semaphore_mem>> -> memref<!tpu.dma_semaphore, #tpu.memory_space<semaphore_mem>>
      %dma_wait3A_193 = arith.constant 0 : i32
      %dma_wait3A_194 = arith.constant 0 : i32
      %dma_wait3A_195 = tpu.memref_slice %arg6[%dma_wait3A, %dma_wait3A_190, %dma_wait3A_193, %dma_wait3A_194] : memref<4x1x2048x2048xf32, #tpu.memory_space<any>> -> memref<1x1x256x2048xf32, #tpu.memory_space<any>>
      %dma_wait3A_196 = tpu.memref_squeeze %dma_wait3A_195 : memref<1x1x256x2048xf32, #tpu.memory_space<any>> -> memref<256x2048xf32, #tpu.memory_space<any>>
      %dma_wait3A_197 = arith.constant 0 : i32
      %dma_wait3A_198 = arith.constant 0 : i32
      %dma_wait3A_199 = tpu.memref_slice %arg11[%add3A_140, %dma_wait3A_197, %dma_wait3A_198] : memref<8x256x2048xf32, #tpu.memory_space<vmem>> -> memref<1x256x2048xf32, #tpu.memory_space<vmem>>
      %dma_wait3A_200 = tpu.memref_squeeze %dma_wait3A_199 : memref<1x256x2048xf32, #tpu.memory_space<vmem>> -> memref<256x2048xf32, #tpu.memory_space<vmem>>
      tpu.wait_dma2 semaphore(%dma_wait3A_192 : memref<!tpu.dma_semaphore, #tpu.memory_space<semaphore_mem>>) src(%dma_wait3A_200 : memref<256x2048xf32, #tpu.memory_space<vmem>>) dst(%dma_wait3A_196 : memref<256x2048xf32, #tpu.memory_space<any>>)
    } else {
    }
    %get3A_146 = arith.constant 3 : index
    %get3A_147 = arith.constant 0 : index
    %get3A_148 = vector.load %arg1[%get3A_146, %get3A_147] : memref<4x2048xf32, #tpu.memory_space<vmem>>, vector<1x2048xf32>
    %get3A_149 = vector.shape_cast %get3A_148 : vector<1x2048xf32> to vector<2048xf32>
    %broadcast_in_dim3A_150 = vector.shape_cast %get3A_149 : vector<2048xf32> to vector<1x2048xf32>
    %eq3A_151 = arith.constant 0.000000e+00 : f32
    %eq3A_152 = vector.broadcast %eq3A_151 : f32 to vector<1x2048xf32>
    %eq3A_153 = arith.cmpf oeq, %broadcast_in_dim3A_150, %eq3A_152 : vector<1x2048xf32>
    %jit3A_154 = arith.constant -3.40282347E+38 : f32
    %jit3A_155 = arith.constant 0.000000e+00 : f32
    %broadcast_in_dim3A_156 = vector.broadcast %jit3A_154 : f32 to vector<1x2048xf32>
    %broadcast_in_dim3A_157 = vector.broadcast %jit3A_155 : f32 to vector<1x2048xf32>
    %select_n3A_158 = arith.select %eq3A_153, %broadcast_in_dim3A_156, %broadcast_in_dim3A_157 : vector<1x2048xi1>, vector<1x2048xf32>
    %min3A_159 = vector.broadcast %select_n3A_158 : vector<1x2048xf32> to vector<256x2048xf32>
    %min3A_160 = arith.minimumf %select_n3A, %min3A_159 : vector<256x2048xf32>
    %swap3A_161 = arith.index_cast %add3A_140 : i32 to index
    %swap3A_162 = arith.constant 0 : index
    %swap3A_163 = arith.constant 0 : index
    %swap3A_164 = vector.load %arg11[%swap3A_161, %swap3A_162, %swap3A_163] : memref<8x256x2048xf32, #tpu.memory_space<vmem>>, vector<1x256x2048xf32>
    %swap3A_165 = vector.shape_cast %swap3A_164 : vector<1x256x2048xf32> to vector<256x2048xf32>
    %swap3A_166 = vector.shape_cast %min3A_160 : vector<256x2048xf32> to vector<1x256x2048xf32>
    tpu.vector_store %arg11[%swap3A_161, %swap3A_162, %swap3A_163], %swap3A_166 {strides = array<i32>} : memref<8x256x2048xf32, #tpu.memory_space<vmem>>, vector<1x256x2048xf32>,
    %mul3A_167 = arith.constant 256 : i32
    %mul3A_168 = arith.muli %arg0, %mul3A_167 : i32
    %dma_start3A_169 = arith.constant 3 : i32
    %dma_start3A_170 = arith.constant 0 : i32
    %dma_start3A_171 = tpu.memref_slice %arg12[%add3A_140] : memref<8x!tpu.dma_semaphore, #tpu.memory_space<semaphore_mem>> -> memref<1x!tpu.dma_semaphore, #tpu.memory_space<semaphore_mem>>
    %dma_start3A_172 = tpu.memref_squeeze %dma_start3A_171 : memref<1x!tpu.dma_semaphore, #tpu.memory_space<semaphore_mem>> -> memref<!tpu.dma_semaphore, #tpu.memory_space<semaphore_mem>>
    %dma_start3A_173 = arith.constant 0 : i32
    %dma_start3A_174 = tpu.memref_slice %arg6[%dma_start3A_169, %dma_start3A_170, %mul3A_168, %dma_start3A_173] : memref<4x1x2048x2048xf32, #tpu.memory_space<any>> -> memref<1x1x256x2048xf32, #tpu.memory_space<any>>
    %dma_start3A_175 = tpu.memref_squeeze %dma_start3A_174 : memref<1x1x256x2048xf32, #tpu.memory_space<any>> -> memref<256x2048xf32, #tpu.memory_space<any>>
    %dma_start3A_176 = arith.constant 0 : i32
    %dma_start3A_177 = arith.constant 0 : i32
    %dma_start3A_178 = tpu.memref_slice %arg11[%add3A_140, %dma_start3A_176, %dma_start3A_177] : memref<8x256x2048xf32, #tpu.memory_space<vmem>> -> memref<1x256x2048xf32, #tpu.memory_space<vmem>>
    %dma_start3A_179 = tpu.memref_squeeze %dma_start3A_178 : memref<1x256x2048xf32, #tpu.memory_space<vmem>> -> memref<256x2048xf32, #tpu.memory_space<vmem>>
    tpu.enqueue_dma source(%dma_start3A_179 : memref<256x2048xf32, #tpu.memory_space<vmem>>) target(%dma_start3A_175 : memref<256x2048xf32, #tpu.memory_space<any>>) target_semaphore(%dma_start3A_172 : memref<!tpu.dma_semaphore, #tpu.memory_space<semaphore_mem>>)
    %eq3A_180 = arith.constant 7 : i32
    %eq3A_181 = arith.cmpi eq, %arg0, %eq3A_180 : i32
    %convert_element_type3A_182 = arith.extui %eq3A_181 : i1 to i32
    %cond3A_183 = arith.constant 0 : i32
    %cond3A_184 = arith.cmpi ne, %convert_element_type3A_182, %cond3A_183 : i32
    scf.if %cond3A_184 {
      %dma_wait3A = arith.constant 0 : i32
      %dma_wait3A_190 = arith.constant 0 : i32
      %dma_wait3A_191 = arith.constant 0 : i32
      %dma_wait3A_192 = arith.constant 0 : i32
      %dma_wait3A_193 = tpu.memref_slice %arg12[%dma_wait3A_192] : memref<8x!tpu.dma_semaphore, #tpu.memory_space<semaphore_mem>> -> memref<1x!tpu.dma_semaphore, #tpu.memory_space<semaphore_mem>>
      %dma_wait3A_194 = tpu.memref_squeeze %dma_wait3A_193 : memref<1x!tpu.dma_semaphore, #tpu.memory_space<semaphore_mem>> -> memref<!tpu.dma_semaphore, #tpu.memory_space<semaphore_mem>>
      %dma_wait3A_195 = arith.constant 0 : i32
      %dma_wait3A_196 = arith.constant 0 : i32
      %dma_wait3A_197 = tpu.memref_slice %arg6[%dma_wait3A_190, %dma_wait3A_191, %dma_wait3A_195, %dma_wait3A_196] : memref<4x1x2048x2048xf32, #tpu.memory_space<any>> -> memref<1x1x256x2048xf32, #tpu.memory_space<any>>
      %dma_wait3A_198 = tpu.memref_squeeze %dma_wait3A_197 : memref<1x1x256x2048xf32, #tpu.memory_space<any>> -> memref<256x2048xf32, #tpu.memory_space<any>>
      %dma_wait3A_199 = arith.constant 0 : i32
      %dma_wait3A_200 = arith.constant 0 : i32
      %dma_wait3A_201 = tpu.memref_slice %arg11[%dma_wait3A, %dma_wait3A_199, %dma_wait3A_200] : memref<8x256x2048xf32, #tpu.memory_space<vmem>> -> memref<1x256x2048xf32, #tpu.memory_space<vmem>>
      %dma_wait3A_202 = tpu.memref_squeeze %dma_wait3A_201 : memref<1x256x2048xf32, #tpu.memory_space<vmem>> -> memref<256x2048xf32, #tpu.memory_space<vmem>>
      tpu.wait_dma2 semaphore(%dma_wait3A_194 : memref<!tpu.dma_semaphore, #tpu.memory_space<semaphore_mem>>) src(%dma_wait3A_202 : memref<256x2048xf32, #tpu.memory_space<vmem>>) dst(%dma_wait3A_198 : memref<256x2048xf32, #tpu.memory_space<any>>)
      %dma_wait3A_203 = arith.constant 1 : i32
      %dma_wait3A_204 = arith.constant 0 : i32
      %dma_wait3A_205 = arith.constant 0 : i32
      %dma_wait3A_206 = arith.constant 1 : i32
      %dma_wait3A_207 = tpu.memref_slice %arg12[%dma_wait3A_206] : memref<8x!tpu.dma_semaphore, #tpu.memory_space<semaphore_mem>> -> memref<1x!tpu.dma_semaphore, #tpu.memory_space<semaphore_mem>>
      %dma_wait3A_208 = tpu.memref_squeeze %dma_wait3A_207 : memref<1x!tpu.dma_semaphore, #tpu.memory_space<semaphore_mem>> -> memref<!tpu.dma_semaphore, #tpu.memory_space<semaphore_mem>>
      %dma_wait3A_209 = arith.constant 0 : i32
      %dma_wait3A_210 = arith.constant 0 : i32
      %dma_wait3A_211 = tpu.memref_slice %arg6[%dma_wait3A_204, %dma_wait3A_205, %dma_wait3A_209, %dma_wait3A_210] : memref<4x1x2048x2048xf32, #tpu.memory_space<any>> -> memref<1x1x256x2048xf32, #tpu.memory_space<any>>
      %dma_wait3A_212 = tpu.memref_squeeze %dma_wait3A_211 : memref<1x1x256x2048xf32, #tpu.memory_space<any>> -> memref<256x2048xf32, #tpu.memory_space<any>>
      %dma_wait3A_213 = arith.constant 0 : i32
      %dma_wait3A_214 = arith.constant 0 : i32
      %dma_wait3A_215 = tpu.memref_slice %arg11[%dma_wait3A_203, %dma_wait3A_213, %dma_wait3A_214] : memref<8x256x2048xf32, #tpu.memory_space<vmem>> -> memref<1x256x2048xf32, #tpu.memory_space<vmem>>
      %dma_wait3A_216 = tpu.memref_squeeze %dma_wait3A_215 : memref<1x256x2048xf32, #tpu.memory_space<vmem>> -> memref<256x2048xf32, #tpu.memory_space<vmem>>
      tpu.wait_dma2 semaphore(%dma_wait3A_208 : memref<!tpu.dma_semaphore, #tpu.memory_space<semaphore_mem>>) src(%dma_wait3A_216 : memref<256x2048xf32, #tpu.memory_space<vmem>>) dst(%dma_wait3A_212 : memref<256x2048xf32, #tpu.memory_space<any>>)
      %dma_wait3A_217 = arith.constant 2 : i32
      %dma_wait3A_218 = arith.constant 0 : i32
      %dma_wait3A_219 = arith.constant 0 : i32
      %dma_wait3A_220 = arith.constant 2 : i32
      %dma_wait3A_221 = tpu.memref_slice %arg12[%dma_wait3A_220] : memref<8x!tpu.dma_semaphore, #tpu.memory_space<semaphore_mem>> -> memref<1x!tpu.dma_semaphore, #tpu.memory_space<semaphore_mem>>
      %dma_wait3A_222 = tpu.memref_squeeze %dma_wait3A_221 : memref<1x!tpu.dma_semaphore, #tpu.memory_space<semaphore_mem>> -> memref<!tpu.dma_semaphore, #tpu.memory_space<semaphore_mem>>
      %dma_wait3A_223 = arith.constant 0 : i32
      %dma_wait3A_224 = arith.constant 0 : i32
      %dma_wait3A_225 = tpu.memref_slice %arg6[%dma_wait3A_218, %dma_wait3A_219, %dma_wait3A_223, %dma_wait3A_224] : memref<4x1x2048x2048xf32, #tpu.memory_space<any>> -> memref<1x1x256x2048xf32, #tpu.memory_space<any>>
      %dma_wait3A_226 = tpu.memref_squeeze %dma_wait3A_225 : memref<1x1x256x2048xf32, #tpu.memory_space<any>> -> memref<256x2048xf32, #tpu.memory_space<any>>
      %dma_wait3A_227 = arith.constant 0 : i32
      %dma_wait3A_228 = arith.constant 0 : i32
      %dma_wait3A_229 = tpu.memref_slice %arg11[%dma_wait3A_217, %dma_wait3A_227, %dma_wait3A_228] : memref<8x256x2048xf32, #tpu.memory_space<vmem>> -> memref<1x256x2048xf32, #tpu.memory_space<vmem>>
      %dma_wait3A_230 = tpu.memref_squeeze %dma_wait3A_229 : memref<1x256x2048xf32, #tpu.memory_space<vmem>> -> memref<256x2048xf32, #tpu.memory_space<vmem>>
      tpu.wait_dma2 semaphore(%dma_wait3A_222 : memref<!tpu.dma_semaphore, #tpu.memory_space<semaphore_mem>>) src(%dma_wait3A_230 : memref<256x2048xf32, #tpu.memory_space<vmem>>) dst(%dma_wait3A_226 : memref<256x2048xf32, #tpu.memory_space<any>>)
      %dma_wait3A_231 = arith.constant 3 : i32
      %dma_wait3A_232 = arith.constant 0 : i32
      %dma_wait3A_233 = arith.constant 0 : i32
      %dma_wait3A_234 = arith.constant 3 : i32
      %dma_wait3A_235 = tpu.memref_slice %arg12[%dma_wait3A_234] : memref<8x!tpu.dma_semaphore, #tpu.memory_space<semaphore_mem>> -> memref<1x!tpu.dma_semaphore, #tpu.memory_space<semaphore_mem>>
      %dma_wait3A_236 = tpu.memref_squeeze %dma_wait3A_235 : memref<1x!tpu.dma_semaphore, #tpu.memory_space<semaphore_mem>> -> memref<!tpu.dma_semaphore, #tpu.memory_space<semaphore_mem>>
      %dma_wait3A_237 = arith.constant 0 : i32
      %dma_wait3A_238 = arith.constant 0 : i32
      %dma_wait3A_239 = tpu.memref_slice %arg6[%dma_wait3A_232, %dma_wait3A_233, %dma_wait3A_237, %dma_wait3A_238] : memref<4x1x2048x2048xf32, #tpu.memory_space<any>> -> memref<1x1x256x2048xf32, #tpu.memory_space<any>>
      %dma_wait3A_240 = tpu.memref_squeeze %dma_wait3A_239 : memref<1x1x256x2048xf32, #tpu.memory_space<any>> -> memref<256x2048xf32, #tpu.memory_space<any>>
      %dma_wait3A_241 = arith.constant 0 : i32
      %dma_wait3A_242 = arith.constant 0 : i32
      %dma_wait3A_243 = tpu.memref_slice %arg11[%dma_wait3A_231, %dma_wait3A_241, %dma_wait3A_242] : memref<8x256x2048xf32, #tpu.memory_space<vmem>> -> memref<1x256x2048xf32, #tpu.memory_space<vmem>>
      %dma_wait3A_244 = tpu.memref_squeeze %dma_wait3A_243 : memref<1x256x2048xf32, #tpu.memory_space<vmem>> -> memref<256x2048xf32, #tpu.memory_space<vmem>>
      tpu.wait_dma2 semaphore(%dma_wait3A_236 : memref<!tpu.dma_semaphore, #tpu.memory_space<semaphore_mem>>) src(%dma_wait3A_244 : memref<256x2048xf32, #tpu.memory_space<vmem>>) dst(%dma_wait3A_240 : memref<256x2048xf32, #tpu.memory_space<any>>)
      %dma_wait3A_245 = arith.constant 4 : i32
      %dma_wait3A_246 = arith.constant 0 : i32
      %dma_wait3A_247 = arith.constant 0 : i32
      %dma_wait3A_248 = arith.constant 4 : i32
      %dma_wait3A_249 = tpu.memref_slice %arg12[%dma_wait3A_248] : memref<8x!tpu.dma_semaphore, #tpu.memory_space<semaphore_mem>> -> memref<1x!tpu.dma_semaphore, #tpu.memory_space<semaphore_mem>>
      %dma_wait3A_250 = tpu.memref_squeeze %dma_wait3A_249 : memref<1x!tpu.dma_semaphore, #tpu.memory_space<semaphore_mem>> -> memref<!tpu.dma_semaphore, #tpu.memory_space<semaphore_mem>>
      %dma_wait3A_251 = arith.constant 0 : i32
      %dma_wait3A_252 = arith.constant 0 : i32
      %dma_wait3A_253 = tpu.memref_slice %arg6[%dma_wait3A_246, %dma_wait3A_247, %dma_wait3A_251, %dma_wait3A_252] : memref<4x1x2048x2048xf32, #tpu.memory_space<any>> -> memref<1x1x256x2048xf32, #tpu.memory_space<any>>
      %dma_wait3A_254 = tpu.memref_squeeze %dma_wait3A_253 : memref<1x1x256x2048xf32, #tpu.memory_space<any>> -> memref<256x2048xf32, #tpu.memory_space<any>>
      %dma_wait3A_255 = arith.constant 0 : i32
      %dma_wait3A_256 = arith.constant 0 : i32
      %dma_wait3A_257 = tpu.memref_slice %arg11[%dma_wait3A_245, %dma_wait3A_255, %dma_wait3A_256] : memref<8x256x2048xf32, #tpu.memory_space<vmem>> -> memref<1x256x2048xf32, #tpu.memory_space<vmem>>
      %dma_wait3A_258 = tpu.memref_squeeze %dma_wait3A_257 : memref<1x256x2048xf32, #tpu.memory_space<vmem>> -> memref<256x2048xf32, #tpu.memory_space<vmem>>
      tpu.wait_dma2 semaphore(%dma_wait3A_250 : memref<!tpu.dma_semaphore, #tpu.memory_space<semaphore_mem>>) src(%dma_wait3A_258 : memref<256x2048xf32, #tpu.memory_space<vmem>>) dst(%dma_wait3A_254 : memref<256x2048xf32, #tpu.memory_space<any>>)
      %dma_wait3A_259 = arith.constant 5 : i32
      %dma_wait3A_260 = arith.constant 0 : i32
      %dma_wait3A_261 = arith.constant 0 : i32
      %dma_wait3A_262 = arith.constant 5 : i32
      %dma_wait3A_263 = tpu.memref_slice %arg12[%dma_wait3A_262] : memref<8x!tpu.dma_semaphore, #tpu.memory_space<semaphore_mem>> -> memref<1x!tpu.dma_semaphore, #tpu.memory_space<semaphore_mem>>
      %dma_wait3A_264 = tpu.memref_squeeze %dma_wait3A_263 : memref<1x!tpu.dma_semaphore, #tpu.memory_space<semaphore_mem>> -> memref<!tpu.dma_semaphore, #tpu.memory_space<semaphore_mem>>
      %dma_wait3A_265 = arith.constant 0 : i32
      %dma_wait3A_266 = arith.constant 0 : i32
      %dma_wait3A_267 = tpu.memref_slice %arg6[%dma_wait3A_260, %dma_wait3A_261, %dma_wait3A_265, %dma_wait3A_266] : memref<4x1x2048x2048xf32, #tpu.memory_space<any>> -> memref<1x1x256x2048xf32, #tpu.memory_space<any>>
      %dma_wait3A_268 = tpu.memref_squeeze %dma_wait3A_267 : memref<1x1x256x2048xf32, #tpu.memory_space<any>> -> memref<256x2048xf32, #tpu.memory_space<any>>
      %dma_wait3A_269 = arith.constant 0 : i32
      %dma_wait3A_270 = arith.constant 0 : i32
      %dma_wait3A_271 = tpu.memref_slice %arg11[%dma_wait3A_259, %dma_wait3A_269, %dma_wait3A_270] : memref<8x256x2048xf32, #tpu.memory_space<vmem>> -> memref<1x256x2048xf32, #tpu.memory_space<vmem>>
      %dma_wait3A_272 = tpu.memref_squeeze %dma_wait3A_271 : memref<1x256x2048xf32, #tpu.memory_space<vmem>> -> memref<256x2048xf32, #tpu.memory_space<vmem>>
      tpu.wait_dma2 semaphore(%dma_wait3A_264 : memref<!tpu.dma_semaphore, #tpu.memory_space<semaphore_mem>>) src(%dma_wait3A_272 : memref<256x2048xf32, #tpu.memory_space<vmem>>) dst(%dma_wait3A_268 : memref<256x2048xf32, #tpu.memory_space<any>>)
      %dma_wait3A_273 = arith.constant 6 : i32
      %dma_wait3A_274 = arith.constant 0 : i32
      %dma_wait3A_275 = arith.constant 0 : i32
      %dma_wait3A_276 = arith.constant 6 : i32
      %dma_wait3A_277 = tpu.memref_slice %arg12[%dma_wait3A_276] : memref<8x!tpu.dma_semaphore, #tpu.memory_space<semaphore_mem>> -> memref<1x!tpu.dma_semaphore, #tpu.memory_space<semaphore_mem>>
      %dma_wait3A_278 = tpu.memref_squeeze %dma_wait3A_277 : memref<1x!tpu.dma_semaphore, #tpu.memory_space<semaphore_mem>> -> memref<!tpu.dma_semaphore, #tpu.memory_space<semaphore_mem>>
      %dma_wait3A_279 = arith.constant 0 : i32
      %dma_wait3A_280 = arith.constant 0 : i32
      %dma_wait3A_281 = tpu.memref_slice %arg6[%dma_wait3A_274, %dma_wait3A_275, %dma_wait3A_279, %dma_wait3A_280] : memref<4x1x2048x2048xf32, #tpu.memory_space<any>> -> memref<1x1x256x2048xf32, #tpu.memory_space<any>>
      %dma_wait3A_282 = tpu.memref_squeeze %dma_wait3A_281 : memref<1x1x256x2048xf32, #tpu.memory_space<any>> -> memref<256x2048xf32, #tpu.memory_space<any>>
      %dma_wait3A_283 = arith.constant 0 : i32
      %dma_wait3A_284 = arith.constant 0 : i32
      %dma_wait3A_285 = tpu.memref_slice %arg11[%dma_wait3A_273, %dma_wait3A_283, %dma_wait3A_284] : memref<8x256x2048xf32, #tpu.memory_space<vmem>> -> memref<1x256x2048xf32, #tpu.memory_space<vmem>>
      %dma_wait3A_286 = tpu.memref_squeeze %dma_wait3A_285 : memref<1x256x2048xf32, #tpu.memory_space<vmem>> -> memref<256x2048xf32, #tpu.memory_space<vmem>>
      tpu.wait_dma2 semaphore(%dma_wait3A_278 : memref<!tpu.dma_semaphore, #tpu.memory_space<semaphore_mem>>) src(%dma_wait3A_286 : memref<256x2048xf32, #tpu.memory_space<vmem>>) dst(%dma_wait3A_282 : memref<256x2048xf32, #tpu.memory_space<any>>)
      %dma_wait3A_287 = arith.constant 7 : i32
      %dma_wait3A_288 = arith.constant 0 : i32
      %dma_wait3A_289 = arith.constant 0 : i32
      %dma_wait3A_290 = arith.constant 7 : i32
      %dma_wait3A_291 = tpu.memref_slice %arg12[%dma_wait3A_290] : memref<8x!tpu.dma_semaphore, #tpu.memory_space<semaphore_mem>> -> memref<1x!tpu.dma_semaphore, #tpu.memory_space<semaphore_mem>>
      %dma_wait3A_292 = tpu.memref_squeeze %dma_wait3A_291 : memref<1x!tpu.dma_semaphore, #tpu.memory_space<semaphore_mem>> -> memref<!tpu.dma_semaphore, #tpu.memory_space<semaphore_mem>>
      %dma_wait3A_293 = arith.constant 0 : i32
      %dma_wait3A_294 = arith.constant 0 : i32
      %dma_wait3A_295 = tpu.memref_slice %arg6[%dma_wait3A_288, %dma_wait3A_289, %dma_wait3A_293, %dma_wait3A_294] : memref<4x1x2048x2048xf32, #tpu.memory_space<any>> -> memref<1x1x256x2048xf32, #tpu.memory_space<any>>
      %dma_wait3A_296 = tpu.memref_squeeze %dma_wait3A_295 : memref<1x1x256x2048xf32, #tpu.memory_space<any>> -> memref<256x2048xf32, #tpu.memory_space<any>>
      %dma_wait3A_297 = arith.constant 0 : i32
      %dma_wait3A_298 = arith.constant 0 : i32
      %dma_wait3A_299 = tpu.memref_slice %arg11[%dma_wait3A_287, %dma_wait3A_297, %dma_wait3A_298] : memref<8x256x2048xf32, #tpu.memory_space<vmem>> -> memref<1x256x2048xf32, #tpu.memory_space<vmem>>
      %dma_wait3A_300 = tpu.memref_squeeze %dma_wait3A_299 : memref<1x256x2048xf32, #tpu.memory_space<vmem>> -> memref<256x2048xf32, #tpu.memory_space<vmem>>
      tpu.wait_dma2 semaphore(%dma_wait3A_292 : memref<!tpu.dma_semaphore, #tpu.memory_space<semaphore_mem>>) src(%dma_wait3A_300 : memref<256x2048xf32, #tpu.memory_space<vmem>>) dst(%dma_wait3A_296 : memref<256x2048xf32, #tpu.memory_space<any>>)
    } else {
    }
    %eq3A_185 = arith.constant 0 : i32
    %eq3A_186 = arith.cmpi eq, %arg0, %eq3A_185 : i32
    %convert_element_type3A_187 = arith.extui %eq3A_186 : i1 to i32
    %cond3A_188 = arith.constant 0 : i32
    %cond3A_189 = arith.cmpi ne, %convert_element_type3A_187, %cond3A_188 : i32
    scf.if %cond3A_189 {
      %get3A_190 = arith.constant 0 : index
      %get3A_191 = arith.constant 0 : index
      %get3A_192 = vector.load %arg2[%get3A_190, %get3A_191] : memref<1x2048xi32, #tpu.memory_space<vmem>>, vector<1x2048xi32>
      %convert_element_type3A_193 = arith.sitofp %get3A_192 : vector<1x2048xi32> to vector<1x2048xf32>
      %get3A_194 = arith.constant 0 : index
      %get3A_195 = arith.constant 0 : index
      %get3A_196 = vector.load %arg3[%get3A_194, %get3A_195] : memref<64x1xf32, #tpu.memory_space<vmem>>, vector<64x1xf32>
      %mul3A_197 = vector.broadcast %get3A_196 : vector<64x1xf32> to vector<64x2048xf32>
      %mul3A_198 = vector.broadcast %convert_element_type3A_193 : vector<1x2048xf32> to vector<64x2048xf32>
      %mul3A_199 = arith.mulf %mul3A_197, %mul3A_198 : vector<64x2048xf32>
      %cos3A = math.cos %mul3A_199 : vector<64x2048xf32>
      %swap3A_200 = arith.constant 0 : index
      %swap3A_201 = arith.constant 0 : index
      %swap3A_202 = arith.constant 0 : index
      %swap3A_203 = vector.load %arg7[%swap3A_200, %swap3A_201, %swap3A_202] : memref<1x64x2048xf32, #tpu.memory_space<vmem>>, vector<1x64x2048xf32>
      %swap3A_204 = vector.shape_cast %swap3A_203 : vector<1x64x2048xf32> to vector<64x2048xf32>
      %swap3A_205 = vector.shape_cast %cos3A : vector<64x2048xf32> to vector<1x64x2048xf32>
      tpu.vector_store %arg7[%swap3A_200, %swap3A_201, %swap3A_202], %swap3A_205 {strides = array<i32>} : memref<1x64x2048xf32, #tpu.memory_space<vmem>>, vector<1x64x2048xf32>,
      %sin3A = math.sin %mul3A_199 : vector<64x2048xf32>
      %swap3A_206 = arith.constant 0 : index
      %swap3A_207 = arith.constant 0 : index
      %swap3A_208 = arith.constant 0 : index
      %swap3A_209 = vector.load %arg8[%swap3A_206, %swap3A_207, %swap3A_208] : memref<1x64x2048xf32, #tpu.memory_space<vmem>>, vector<1x64x2048xf32>
      %swap3A_210 = vector.shape_cast %swap3A_209 : vector<1x64x2048xf32> to vector<64x2048xf32>
      %swap3A_211 = vector.shape_cast %sin3A : vector<64x2048xf32> to vector<1x64x2048xf32>
      tpu.vector_store %arg8[%swap3A_206, %swap3A_207, %swap3A_208], %swap3A_211 {strides = array<i32>} : memref<1x64x2048xf32, #tpu.memory_space<vmem>>, vector<1x64x2048xf32>,
      %get3A_212 = arith.constant 0 : index
      %get3A_213 = arith.constant 0 : index
      %get3A_214 = vector.load %arg4[%get3A_212, %get3A_213] : memref<4x2048xi32, #tpu.memory_space<vmem>>, vector<4x2048xi32>
      %swap3A_215 = arith.constant 0 : index
      %swap3A_216 = arith.constant 0 : index
      %swap3A_217 = vector.load %arg9[%swap3A_215, %swap3A_216] : memref<4x2048xi32, #tpu.memory_space<vmem>>, vector<4x2048xi32>
      tpu.vector_store %arg9[%swap3A_215, %swap3A_216], %get3A_214 {strides = array<i32>} : memref<4x2048xi32, #tpu.memory_space<vmem>>, vector<4x2048xi32>,
      %get3A_218 = arith.constant 0 : index
      %get3A_219 = arith.constant 0 : index
      %get3A_220 = vector.load %arg5[%get3A_218, %get3A_219] : memref<1x4xf32, #tpu.memory_space<vmem>>, vector<1x4xf32>
      %swap3A_221 = arith.constant 0 : index
      %swap3A_222 = arith.constant 0 : index
      %swap3A_223 = vector.load %arg10[%swap3A_221, %swap3A_222] : memref<1x4xf32, #tpu.memory_space<vmem>>, vector<1x4xf32>
      tpu.vector_store %arg10[%swap3A_221, %swap3A_222], %get3A_220 {strides = array<i32>} : memref<1x4xf32, #tpu.memory_space<vmem>>, vector<1x4xf32>,
    } else {
    }
    return
  }
  func.func @transform_0(%arg0: i32) -> (i32, i32) {
    %c0_i32 = arith.constant 0 : i32
    %c0_i32_0 = arith.constant 0 : i32
    %c0_i32_1 = arith.constant 0 : i32
    return %c0_i32, %c0_i32_0 : i32, i32
  }
  func.func @transform_1(%arg0: i32) -> (i32, i32) {
    %c0_i32 = arith.constant 0 : i32
    %c0_i32_0 = arith.constant 0 : i32
    %c0_i32_1 = arith.constant 0 : i32
    return %c0_i32, %c0_i32_0 : i32, i32
  }
  func.func @transform_2(%arg0: i32) -> (i32, i32) {
    %c0_i32 = arith.constant 0 : i32
    %c0_i32_0 = arith.constant 0 : i32
    %c0_i32_1 = arith.constant 0 : i32
    return %c0_i32, %c0_i32_0 : i32, i32
  }
  func.func @transform_3(%arg0: i32) -> (i32, i32) {
    %c0_i32 = arith.constant 0 : i32
    %c0_i32_0 = arith.constant 0 : i32
    %c0_i32_1 = arith.constant 0 : i32
    return %c0_i32, %c0_i32_0 : i32, i32
  }
  func.func @transform_4(%arg0: i32) -> (i32, i32) {
    %c0_i32 = arith.constant 0 : i32
    %c0_i32_0 = arith.constant 0 : i32
    %c0_i32_1 = arith.constant 0 : i32
    return %c0_i32, %c0_i32_0 : i32, i32
  }
  func.func @transform_6(%arg0: i32) -> (i32, i32, i32) {
    %c0_i32 = arith.constant 0 : i32
    %c0_i32_0 = arith.constant 0 : i32
    %c0_i32_1 = arith.constant 0 : i32
    %c0_i32_2 = arith.constant 0 : i32
    return %c0_i32, %c0_i32_0, %c0_i32_1 : i32, i32, i32
  }
  func.func @transform_7(%arg0: i32) -> (i32, i32, i32) {
    %c0_i32 = arith.constant 0 : i32
    %c0_i32_0 = arith.constant 0 : i32
    %c0_i32_1 = arith.constant 0 : i32
    %c0_i32_2 = arith.constant 0 : i32
    return %c0_i32, %c0_i32_0, %c0_i32_1 : i32, i32, i32
  }
  func.func @transform_8(%arg0: i32) -> (i32, i32) {
    %c0_i32 = arith.constant 0 : i32
    %c0_i32_0 = arith.constant 0 : i32
    %c0_i32_1 = arith.constant 0 : i32
    return %c0_i32, %c0_i32_0 : i32, i32
  }
  func.func @transform_9(%arg0: i32) -> (i32, i32) {
    %c0_i32 = arith.constant 0 : i32
    %c0_i32_0 = arith.constant 0 : i32
    %c0_i32_1 = arith.constant 0 : i32
    return %c0_i32, %c0_i32_0 : i32, i32
  }
}

</mosaic_0001>

<sc_bundles>
// kernel: kernel.4.cloned.1.call-start
scs
__scs_entry_jumppad:
0x0: {  	(pc) =	sbr.rel $0x88, $3  }
0x1: {  	(tag) =	ssettag $0x0;
	lr =	simm.s32 $0x1  }
0x2: {  	[smem:$0x3F9B] =	sst lr;
	_ =	strace $0xD0000000  }
0x3: {  	_ = 	snop  }
0x4: {  	_ = 	snop  }
0x5: {  	_ = 	snop  }
0x6: {  	_ = 	snop  }
0x7: {  	_ = 	snop  }
__scs_overlays_trampoline_lowered:
0x8: {  	[smem:$0x3FAA] =	sst s0  }
0x9: {  	[smem:$0x3FAB] =	sst s1  }
0xa: {  	[smem:$0x3FAC] =	sst s2  }
0xb: {  	[smem:$0x3FAD] =	sst s3  }
0xc: {  	[smem:$0x3FAE] =	sst s4  }
0xd: {  	[smem:$0x3FAF] =	sst s5  }
0xe: {  	[smem:$0x3FB0] =	sst s6  }
0xf: {  	[smem:$0x3FB1] =	sst s7  }
0x10: {  	[smem:$0x3FB2] =	sst s8  }
0x11: {  	[smem:$0x3FB3] =	sst s9;
	s0 =	simm.s32 @!p0 $0x0  }
0x12: {  	s1 =	sld [smem:$0x3F99];
	s0 =	simm.s32 @p0 $0x1  }
0x13: {  	[smem:$0x3FB4] =	sst s0;
	s0 =	simm.s32 @!p1 $0x0  }
0x14: {  	s2 =	sld [smem:$0x3F98];
	s0 =	simm.s32 @p1 $0x1  }
0x15: {  	[smem:$0x3FB5] =	sst s0;
	s0 =	simm.s32 @!p2 $0x0  }
0x16: {  	s3 =	sld [smem:$0x3FDB];
	s0 =	simm.s32 @p2 $0x1  }
0x17: {  	s4 =	simm.s32 $0x1BF5;
	[smem:$0x3FB7] =	sst s0  }
0x18: {  	s0 =	sld [smem:$0x3F9A];
	_ =	swait.ge [sflag:s4], $0x0  }
0x19: {  	s7 =	sld [smem:$0x3F9B]  }
0x1a: {  	s8 =	sadd.s32 $0xFFFFE003, lr  }
0x1b: {  	s9 =	sadd.s32 $0xFFFFFEF7, lr;
	s5 =	simm.s32 $0xFFFFFFFF;
	p2 =	slt.u32 s8, $0xFFFFF086  }
0x1c: {  	p1 =	slt.u32 s9, $0xF7A;
	s5 =	simm.s32 @!p2 $0x0  }
0x1d: {  	s5 =	simm.s32 @p1 $0x1;
	p0 =	seq.s32 s7, s2  }
0x1e: {  	s7 =	smul.u32 @!p0 $0xF7A, s2;
	p2 =	seq.s32 @!p0 s5, $0x0  }
0x1f: {  	s9 =	smul.u32 $0xF7A, s1;
	s8 =	simm.s32 @!p0 $0x1BF5;
	p2 =	por !p2, p0  }
0x20: {  	[sflag:s8] =	ssyncset.s32 @!p0 $0xFFFFF086;
	s6 =	sadd.s32 @!p0 s3, s7;
	s7 =	simm.s32 @!p0 $0x108  }
0x21: {  	s3 =	sadd.s32 s3, s9;
	s6 =	sadd.s32 @!p0 $0x88, s6;
	s7 =	simm.s32 @p2 $0x1082  }
0x22: {  	[simem:s7], [sflag:s8] =	dma.local @!p0 [hbm:s6], $0xF7A  }
0x23: {  	s9 =	sor.u32 $0xD0000000, s2;
	s6 =	simm.s32 $0x108;
	_ =	swait.ge @!p0 [sflag:s8], $0x0  }
0x24: {  	s3 =	sadd.s32 $0x88, s3;
	s6 =	simm.s32 @!p1 $0x1082;
	[sflag:s4] =	ssyncset.s32 $0xFFFFF086  }
0x25: {  	[simem:s6], [sflag:s4] =	dma.local [hbm:s3], $0xF7A  }
0x26: {  	[smem:$0x3F9B] =	sst s1;
	(tag) =	ssettag s2;
	_ =	strace s9  }
0x27: {  	s1 =	sld [smem:$0x3FAB]  }
0x28: {  	s2 =	sld [smem:$0x3FAC]  }
0x29: {  	s4 =	sld [smem:$0x3FAE]  }
0x2a: {  	p0 =	seq.s32 s5, $0x0;
	s5 =	sld [smem:$0x3FAF]  }
0x2b: {  	s6 =	sld [smem:$0x3FB0]  }
0x2c: {  	s7 =	sld [smem:$0x3FB1]  }
0x2d: {  	s3 =	simm.s32 $0x108;
	s8 =	sld [smem:$0x3FB2]  }
0x2e: {  	s3 =	simm.s32 @!p0 $0x1082;
	s9 =	sld [smem:$0x3FB3]  }
0x2f: {  	lr =	sadd.s32 s0, s3;
	s0 =	sld [smem:$0x3FAA]  }
0x30: {  	s3 =	sld [smem:$0x3FAD]  }
0x31: {  	[smem:$0x3FB6] =	sst s10  }
0x32: {  	s10 =	sld [smem:$0x3FB4];
	_ =	sdelay $0x3  }
0x33: {  	p0 =	seq.s32 s10, $0x1;
	s10 =	sld [smem:$0x3FB6];
	_ =	sdelay $0x3  }
0x34: {  	[smem:$0x3FB6] =	sst s10  }
0x35: {  	s10 =	sld [smem:$0x3FB5];
	_ =	sdelay $0x3  }
0x36: {  	p1 =	seq.s32 s10, $0x1;
	s10 =	sld [smem:$0x3FB6];
	_ =	sdelay $0x3  }
0x37: {  	[smem:$0x3FB6] =	sst s10  }
0x38: {  	s10 =	sld [smem:$0x3FB7]  }
0x39: {  	_ = 	snop;
	(pc) =	sbr.ind lr, $3  }
0x3a: {  	_ = 	snop  }
0x3b: {  	_ = 	snop  }
0x3c: {  	p2 =	seq.s32 s10, $0x1;
	s10 =	sld [smem:$0x3FB6]  }
0x3d: {  	_ =	shalt  }
0x3e: {  	_ =	shalt  }
0x3f: {  	_ =	shalt  }
0x40: {  	_ =	shalt  }
0x41: {  	_ =	shalt  }
0x42: {  	_ =	shalt  }
0x43: {  	_ =	shalt  }
0x44: {  	_ =	shalt  }
0x45: {  	_ =	shalt  }
0x46: {  	_ =	shalt  }
0x47: {  	_ =	shalt  }
0x48: {  	_ =	shalt  }
0x49: {  	_ =	shalt  }
0x4a: {  	_ =	shalt  }
0x4b: {  	_ =	shalt  }
0x4c: {  	_ =	shalt  }
0x4d: {  	_ =	shalt  }
0x4e: {  	_ =	shalt  }
0x4f: {  	_ =	shalt  }
0x50: {  	_ =	shalt  }
0x51: {  	_ =	shalt  }
0x52: {  	_ =	shalt  }
0x53: {  	_ =	shalt  }
0x54: {  	_ =	shalt  }
0x55: {  	_ =	shalt  }
0x56: {  	_ =	shalt  }
0x57: {  	_ =	shalt  }
0x58: {  	_ =	shalt  }
0x59: {  	_ =	shalt  }
0x5a: {  	_ =	shalt  }
0x5b: {  	_ =	shalt  }
0x5c: {  	_ =	shalt  }
0x5d: {  	_ =	shalt  }
0x5e: {  	_ =	shalt  }
0x5f: {  	_ =	shalt  }
0x60: {  	_ =	shalt  }
0x61: {  	_ =	shalt  }
0x62: {  	_ =	shalt  }
0x63: {  	_ =	shalt  }
0x64: {  	_ =	shalt  }
0x65: {  	_ =	shalt  }
0x66: {  	_ =	shalt  }
0x67: {  	_ =	shalt  }
0x68: {  	_ =	shalt  }
0x69: {  	_ =	shalt  }
0x6a: {  	_ =	shalt  }
0x6b: {  	_ =	shalt  }
0x6c: {  	_ =	shalt  }
0x6d: {  	_ =	shalt  }
0x6e: {  	_ =	shalt  }
0x6f: {  	_ =	shalt  }
0x70: {  	_ =	shalt  }
0x71: {  	_ =	shalt  }
0x72: {  	_ =	shalt  }
0x73: {  	_ =	shalt  }
0x74: {  	_ =	shalt  }
0x75: {  	_ =	shalt  }
0x76: {  	_ =	shalt  }
0x77: {  	_ =	shalt  }
0x78: {  	_ =	shalt  }
0x79: {  	_ =	shalt  }
0x7a: {  	_ =	shalt  }
0x7b: {  	_ =	shalt  }
0x7c: {  	_ =	shalt  }
0x7d: {  	_ =	shalt  }
0x7e: {  	_ =	shalt  }
0x7f: {  	_ =	shalt  }
0x80: {  	_ =	shalt  }
0x81: {  	_ =	shalt  }
0x82: {  	_ =	shalt  }
0x83: {  	_ =	shalt  }
0x84: {  	_ =	shalt  }
0x85: {  	_ =	shalt  }
0x86: {  	_ =	shalt  }
0x87: {  	_ =	shalt  }
.Lfunc_end0:
.L_simem_size_0:
called_computation_lowered:
.L_overlay_start_0:
0x88: {  	s2 =	sld [smem:$0x3FD9]  }
0x89: {  	s3 =	sld [smem:$0x3FFE];
	_ =	sdelay $0x1  }
0x8a: {  	s1 =	srdreg.scid  }
0x8b: {  	s0 =	sand.u32 $0x1, s1  }
0x8c: {  	s14 =	sshll.u32 s0, $0xA;
	s2 =	sadd.s32 s3, s2  }
0x8d: {  	s2 =	sadd.s32 s2, s14  }
0x8e: {  	[smem:$0x3FC2] =	sst s2  }
0x8f: {  	_ = 	snop  }
0x90: {  	s2 =	sld [smem:$0x3FD0];
	_ =	sdelay $0x2  }
0x91: {  	s4 =	simm.s32 $0xA;
	s5 =	simm.s32 $0x10;
	s15 =	sld [smem:$0x3FC4]  }
0x92: {  	[smem:s5], [sflag:s4] =	dma.local [hbm:s2], $0x1  }
0x93: {  	_ =	swait.eq [sflag:s4], $0x1  }
0x94: {  	[sflag:s4] =	ssyncset.done $0x0  }
0x95: {  	[sflag:s4] =	ssyncadd.s32 $0xFFFFFFFF  }
0x96: {  	s16 =	sld [smem:$0x10];
	(tm) =	ssettm $0x1  }
0x97: {  	s17 =	sld [smem:$0x3FFB];
	_ =	sdelay $0x3  }
0x98: {  	_ =	strace s17  }
0x99: {  	s4 =	sld [smem:$0x3FFC];
	_ =	sdelay $0x3  }
0x9a: {  	_ =	strace s4  }
0x9b: {  	s4 =	sld [smem:$0x3FFD];
	_ =	sdelay $0x3  }
0x9c: {  	_ =	strace s4  }
0x9d: {  	_ =	strace $0x8FFFFFFF  }
0x9e: {  	s18 =	sld [smem:$0x3FDB];
	_ =	sdelay $0x1  }
0x9f: {  	s19 =	simm.s32 $_scs_section_size  }
0xa0: {  	s6 =	simm.s32 $_size__tile_overlayer_lowered;
	s7 =	simm.s32 $_tile_overlayer_lowered  }
0xa1: {  	s22 =	simm.s32 $0x1BFF;
	s21 =	sshll.u32 s7, $0x1;
	s4 =	sadd.s32 s19, s18  }
0xa2: {  	s8 =	simm.s32 $0x0;
	s20 =	sshll.u32 s6, $0x1;
	s6 =	sadd.s32 s21, s4  }
0xa3: {  	[timem:s8], [sflag:s22] =	dma.local [hbm:s6], s20  }
0xa4: {  	_ =	swait.ge [sflag:s22], s20  }
0xa5: {  	s5 =	ssub.s32 $0x0, s20;
	[sflag:s22] =	ssyncset.done $0x0  }
0xa6: {  	[sflag:s22] =	ssyncadd.s32 s5;
	_ =	sdelay $0x1  }
0xa7: {  	s23 =	simm.s32 $0x1B8B  }
0xa8: {  	_ =	swait.ge [sflag:s23], $0x1  }
0xa9: {  	[sflag:s23] =	ssyncset.done $0x0  }
0xaa: {  	s25 =	simm.s32 $0x1B8E;
	s24 =	sld [smem:$0x3FFE];
	[sflag:s23] =	ssyncadd.s32 $0xFFFFFFFF  }
0xab: {  	s26 =	simm.s32 $execute0_lowered;
	[smem:$0x3FD2] =	sst s25  }
0xac: {  	s6 =	sshll.u32 s26, $0x1;
	_ =	strace $0x80000046;
	[dreg:$0x1] =	wrdreg $0xFFFFFFFF  }
0xad: {  	s28 =	simm.s32 $_size_execute0_lowered;
	s4 =	sadd.s32 s4, s6;
	[dreg:$0x0] =	wrdreg $0x0  }
0xae: {  	s6 =	sshll.u32 s28, $0x1;
	[dreg:$0x2] =	wrdreg s4  }
0xaf: {  	[dreg:$0x3] =	wrdreg s6  }
0xb0: {  	[dreg:$0x4] =	wrdreg $0xC0  }
0xb1: {  	_ =	task [dreg:s8], $0x5FFFF  }
0xb2: {  	[dreg:$0x1] =	wrdreg $0xFFFFFFFF  }
0xb3: {  	[dreg:$0x0] =	wrdreg $0x60  }
0xb4: {  	[dreg:$0x2] =	wrdreg s15  }
0xb5: {  	[dreg:$0x3] =	wrdreg s24  }
0xb6: {  	[dreg:$0x4] =	wrdreg s16  }
0xb7: {  	[dreg:$0x5] =	wrdreg $0x9  }
0xb8: {  	_ =	task.clear_ibuf [dreg:s8], $0x6FFFF;
	_ =	strace $0x90000046  }
0xb9: {  	s29 =	simm.s32 $0x9;
	_ =	strace $0x80000048  }
0xba: {  	_ =	swait.ge [sflag:s29], $0x1  }
0xbb: {  	[sflag:s29] =	ssyncadd.s32 $0xFFFFFFFF  }
0xbc: {  	_ =	strace $0x90000048  }
0xbd: {  	_ =	sfence  }
0xbe: {  	s30 =	sld [smem:$0x0];
	_ =	sdelay $0x2  }
0xbf: {  	s31 =	sshll.u32 s1, $0xD;
	s1 =	sshrl.u32 s1, $0x2  }
0xc0: {  	s3 =	sand.u32 $0x4000, s31;
	s1 =	sadd.s32 s1, s30  }
0xc1: {  	s0 =	sor.u32 s3, s0;
	s1 =	sshll.u32 s1, $0x11  }
0xc2: {  	s0 =	sor.u32 s1, s0  }
0xc3: {  	s0 =	sadd.s32 $0x8F2B, s0  }
0xc4: {  	[sflag:s0] =	ssyncadd.remote.s32 $0x1  }
0xc5: {  	_ =	sfence.sel $0xFFFF  }
0xc6: {  	[dreg:$0x0] =	wrdreg $0xFFFFFFFF;
	(pc) =	sbr.abs _section_cstart, $3  }
0xc7: {  	[dreg:$0x1] =	wrdreg $0xFFFFFFFF  }
0xc8: {  	_ =	task.clear_ibuf [dreg:s8], $0x2FFFF;
	_ =	strace $0x9FFFFFFF  }
0xc9: {  	(tm) =	ssettm $0x7FFFFFFF  }
tec
execute0_lowered:
.L_overlay_start_1:
0x0: {  	(tag) =	ssettag $0x1  }
0x1: {  	s1 =	rddreg [dreg:$0x0]  }
0x2: {  	s0 =	rddreg [dreg:$0x1]  }
0x3: {  	s2 =	rddreg [dreg:$0x2]  }
0x4: {  	s3 =	srdreg.scid;
	s9 =	stileid.u32;
	s11 =	simm.s32 $0x400  }
0x5: {  	s28 =	simm.s32 $0x8400;
	s29 =	simm.s32 $0x8C00;
	s30 =	simm.s32 $0x9400  }
0x6: {  	s31 =	simm.s32 $0x9C00;
	s10 =	simm.s32 $0xC400;
	s12 =	simm.s32 $0xCC00  }
0x7: {  	s13 =	simm.s32 $0xD400;
	s14 =	simm.s32 $0xDC00;
	s15 =	simm.s32 $0xE400  }
0x8: {  	s16 =	simm.s32 $0xEC00;
	s17 =	simm.s32 $0xF400;
	s18 =	simm.s32 $0xFC00  }
0x9: {  	s19 =	simm.s32 $0x1;
	s20 =	simm.s32 $0x2;
	s21 =	simm.s32 $0x3  }
0xa: {  	s22 =	simm.s32 $0x4;
	s4 =	sand.u32 $0x1, s3;
	s3 =	simm.s32 $0x0  }
0xb: {  	s5 =	sshll.u32 s9, $0x8;
	s7 =	sadd.s32 $0x300, s1;
	s25 =	sshll.u32 s9, $0x10  }
0xc: {  	s6 =	sshll.u32 s4, $0x7;
	[smem:$0x7FF] =	sst s3;
	s23 =	ssub.s32 $0x2, s4  }
0xd: {  	s26 =	sshll.u32 s4, $0xF;
	s4 =	simm.s32 $0xB400;
	s5 =	sor.u32 s6, s5  }
0xe: {  	_ =	strace $0x80000047;
	s24 =	sshrl.u32 s23, $0x1;
	s0 =	sadd.s32 s5, s0  }
.Ltmp0:
0xf: {  	s8 =	ssub.s32 s23, s24;
	s0 =	sadd.s32 $0x1000, s0;
	(pc) =	sbr.rel .LBB2_1-.Ltmp0, $4  }
0x10: {  	s6 =	sadd.s32 $0x200, s1;
	s8 =	smax.u32 s8, $0x1;
	[dreg:$0x4] =	wrdreg s0  }
0x11: {  	v2 =	vlaneseq.u32;
	s5 =	sadd.s32 $0x100, s1;
	s24 =	simm.s32 $0x0;
	[dreg:$0x5] =	wrdreg s8  }
0x12: {  	vm0 =	vmmov $0xffff;
	v1 =	vshrl.u32 v2, $0x3;
	s0 =	sadd.s32 s25, s2;
	s2 =	simm.s32 $0xAC00;
	s8 =	simm.s32 $0xBC00  }
0x13: {  	v0 =	vand.u32 $0x7, v2;
	v2 =	vor.u32 $0x8, v2;
	v1 =	vmul.u32 $0x8, v1;
	s9 =	sadd.s32 s26, s0;
	s26 =	simm.s32 $0x7C00;
	s0 =	simm.s32 $0xA400  }
.LBB2_4:
0x14: {  	_ =	swait.ge [sflag:s21], $0x8000  }
0x15: {  	[sflag:s21] =	ssyncset.done $0x0  }
0x16: {  	[sflag:s21] =	ssyncadd.s32 $0xFFFF8000  }
0x17: {  	_ =	swait.ge [sflag:s22], $0x8000  }
0x18: {  	s24 =	rddreg [dreg:$0x6]  }
0x19: {  	s23 =	rddreg [dreg:$0x5];
	s24 =	sadd.s32 $0x1, s24  }
0x1a: {  	p0 =	sne.s32 s24, s23  }
.Ltmp1:
0x1b: {  	_ = 	snop;
	(pc) =	sbr.rel @!p0 .LBB2_5-.Ltmp1, $3  }
0x1c: {  	_ =	sdelay $0x1  }
0x1d: {  	[sflag:s22] =	ssyncset.done $0x0  }
0x1e: {  	[sflag:s22] =	ssyncadd.s32 $0xFFFF8000  }
.LBB2_1:
0x1f: {  	[dreg:$0x6] =	wrdreg s24  }
0x20: {  	s23 =	rddreg [dreg:$0x4];
	s25 =	simm.s32 $0x5  }
0x21: {  	[tilespmem:s3], [sflag:$0x5] =	stream.linear.gather [hbm4b:s23+s3], $0x400, $0x38;
	[tilespmem:$0x10400] =	vst v63  }
0x22: {  	_ =	swait.ge [sflag:s25], $0x400  }
0x23: {  	[sflag:s25] =	ssyncset.done $0x0  }
0x24: {  	[sflag:s25] =	ssyncadd.s32 $0xFFFFFC00  }
0x25: {  	v3 =	vld [tilespmem:$0x0];
	_ =	sdelay $0x4  }
0x26: {  	v4 =	vshll.u32 v3, $0x3  }
0x27: {  	v3 =	vand.u32 $0x7, v3;
	v4 =	vand.u32 $0xFFFFFFC0, v4  }
0x28: {  	v3 =	vor.u32 v3, v4  }
0x29: {  	v4 =	vperm.xlane v3, v0;
	_ =	sdelay $0x1  }
0x2a: {  	v4 =	vadd.s32 v1, v4;
	_ =	sdelay $0x4  }
0x2b: {  	[tilespmem:s11], [sflag:$0x1] =	stream.indirect_vreg.gather [hbm4b:s1+s3], $0x80, v4, vm0, $0xb8;
	[tilespmem:$0x10400] =	vst v63  }
0x2c: {  	s24 =	simm.s32 $0xC00;
	v3 =	vperm.xlane v3, v2  }
0x2d: {  	[tilespmem:s24], [sflag:$0x1] =	stream.indirect_vreg.gather [hbm4b:s5+s3], $0x80, v4, vm0, $0xb8;
	[tilespmem:$0x10400] =	vst v63  }
0x2e: {  	s25 =	simm.s32 $0x1400;
	v3 =	vadd.s32 v1, v3  }
0x2f: {  	[tilespmem:s25], [sflag:$0x1] =	stream.indirect_vreg.gather [hbm4b:s6+s3], $0x80, v4, vm0, $0xb8;
	[tilespmem:$0x10400] =	vst v63  }
0x30: {  	s24 =	simm.s32 $0x1C00  }
0x31: {  	[tilespmem:s24], [sflag:$0x1] =	stream.indirect_vreg.gather [hbm4b:s7+s3], $0x80, v4, vm0, $0xb8;
	[tilespmem:$0x10400] =	vst v63  }
0x32: {  	s25 =	simm.s32 $0x2400  }
0x33: {  	[tilespmem:s25], [sflag:$0x1] =	stream.indirect_vreg.gather [hbm4b:s1+s3], $0x80, v3, vm0, $0xb8;
	[tilespmem:$0x10400] =	vst v63  }
0x34: {  	s24 =	simm.s32 $0x2C00  }
0x35: {  	[tilespmem:s24], [sflag:$0x1] =	stream.indirect_vreg.gather [hbm4b:s5+s3], $0x80, v3, vm0, $0xb8;
	[tilespmem:$0x10400] =	vst v63  }
0x36: {  	s25 =	simm.s32 $0x3400  }
0x37: {  	[tilespmem:s25], [sflag:$0x1] =	stream.indirect_vreg.gather [hbm4b:s6+s3], $0x80, v3, vm0, $0xb8;
	[tilespmem:$0x10400] =	vst v63  }
0x38: {  	s24 =	simm.s32 $0x3C00  }
0x39: {  	[tilespmem:s24], [sflag:$0x1] =	stream.indirect_vreg.gather [hbm4b:s7+s3], $0x80, v3, vm0, $0xb8;
	[tilespmem:$0x10400] =	vst v63  }
0x3a: {  	v3 =	vld [tilespmem:$0x10];
	_ =	sdelay $0x4  }
0x3b: {  	v61 =	vshll.u32 v3, $0x3  }
0x3c: {  	v3 =	vand.u32 $0x7, v3;
	v4 =	vand.u32 $0xFFFFFFC0, v61  }
0x3d: {  	v3 =	vor.u32 v3, v4  }
0x3e: {  	v4 =	vperm.xlane v3, v0;
	_ =	sdelay $0x1  }
0x3f: {  	v4 =	vadd.s32 v1, v4;
	_ =	sdelay $0x3  }
0x40: {  	s25 =	simm.s32 $0x4400  }
0x41: {  	[tilespmem:s25], [sflag:$0x1] =	stream.indirect_vreg.gather [hbm4b:s1+s3], $0x80, v4, vm0, $0xb8;
	[tilespmem:$0x10400] =	vst v63  }
0x42: {  	s24 =	simm.s32 $0x4C00;
	v3 =	vperm.xlane v3, v2  }
0x43: {  	[tilespmem:s24], [sflag:$0x1] =	stream.indirect_vreg.gather [hbm4b:s5+s3], $0x80, v4, vm0, $0xb8;
	[tilespmem:$0x10400] =	vst v63  }
0x44: {  	v3 =	vadd.s32 v1, v3;
	s25 =	simm.s32 $0x5400  }
0x45: {  	[tilespmem:s25], [sflag:$0x1] =	stream.indirect_vreg.gather [hbm4b:s6+s3], $0x80, v4, vm0, $0xb8;
	[tilespmem:$0x10400] =	vst v63  }
0x46: {  	s24 =	simm.s32 $0x5C00  }
0x47: {  	[tilespmem:s24], [sflag:$0x1] =	stream.indirect_vreg.gather [hbm4b:s7+s3], $0x80, v4, vm0, $0xb8;
	[tilespmem:$0x10400] =	vst v63  }
0x48: {  	s25 =	simm.s32 $0x6400  }
0x49: {  	[tilespmem:s25], [sflag:$0x1] =	stream.indirect_vreg.gather [hbm4b:s1+s3], $0x80, v3, vm0, $0xb8;
	[tilespmem:$0x10400] =	vst v63  }
0x4a: {  	s24 =	simm.s32 $0x6C00  }
0x4b: {  	[tilespmem:s24], [sflag:$0x1] =	stream.indirect_vreg.gather [hbm4b:s5+s3], $0x80, v3, vm0, $0xb8;
	[tilespmem:$0x10400] =	vst v63  }
0x4c: {  	s25 =	simm.s32 $0x7400  }
0x4d: {  	[tilespmem:s25], [sflag:$0x1] =	stream.indirect_vreg.gather [hbm4b:s6+s3], $0x80, v3, vm0, $0xb8;
	[tilespmem:$0x10400] =	vst v63  }
0x4e: {  	_ = 	snop  }
0x4f: {  	[tilespmem:s26], [sflag:$0x1] =	stream.indirect_vreg.gather [hbm4b:s7+s3], $0x80, v3, vm0, $0xb8;
	[tilespmem:$0x10400] =	vst v63  }
0x50: {  	v3 =	vld [tilespmem:$0x80];
	_ =	sdelay $0x4  }
0x51: {  	v62 =	vshll.u32 v3, $0x3  }
0x52: {  	v3 =	vand.u32 $0x7, v3;
	v4 =	vand.u32 $0xFFFFFFC0, v62  }
0x53: {  	v3 =	vor.u32 v3, v4  }
0x54: {  	v4 =	vperm.xlane v3, v0;
	_ =	sdelay $0x1  }
0x55: {  	v4 =	vadd.s32 v1, v4;
	_ =	sdelay $0x4  }
0x56: {  	[tilespmem:s28], [sflag:$0x2] =	stream.indirect_vreg.gather [hbm4b:s1+s3], $0x80, v4, vm0, $0xb8;
	[tilespmem:$0x10400] =	vst v63  }
0x57: {  	v3 =	vperm.xlane v3, v2  }
0x58: {  	[tilespmem:s29], [sflag:$0x2] =	stream.indirect_vreg.gather [hbm4b:s5+s3], $0x80, v4, vm0, $0xb8;
	[tilespmem:$0x10400] =	vst v63  }
0x59: {  	v3 =	vadd.s32 v1, v3  }
0x5a: {  	[tilespmem:s30], [sflag:$0x2] =	stream.indirect_vreg.gather [hbm4b:s6+s3], $0x80, v4, vm0, $0xb8;
	[tilespmem:$0x10400] =	vst v63  }
0x5b: {  	_ = 	snop  }
0x5c: {  	[tilespmem:s31], [sflag:$0x2] =	stream.indirect_vreg.gather [hbm4b:s7+s3], $0x80, v4, vm0, $0xb8;
	[tilespmem:$0x10400] =	vst v63  }
0x5d: {  	_ = 	snop  }
0x5e: {  	[tilespmem:s0], [sflag:$0x2] =	stream.indirect_vreg.gather [hbm4b:s1+s3], $0x80, v3, vm0, $0xb8;
	[tilespmem:$0x10400] =	vst v63  }
0x5f: {  	_ = 	snop  }
0x60: {  	[tilespmem:s2], [sflag:$0x2] =	stream.indirect_vreg.gather [hbm4b:s5+s3], $0x80, v3, vm0, $0xb8;
	[tilespmem:$0x10400] =	vst v63  }
0x61: {  	_ = 	snop  }
0x62: {  	[tilespmem:s4], [sflag:$0x2] =	stream.indirect_vreg.gather [hbm4b:s6+s3], $0x80, v3, vm0, $0xb8;
	[tilespmem:$0x10400] =	vst v63  }
0x63: {  	_ = 	snop  }
0x64: {  	[tilespmem:s8], [sflag:$0x2] =	stream.indirect_vreg.gather [hbm4b:s7+s3], $0x80, v3, vm0, $0xb8;
	[tilespmem:$0x10400] =	vst v63  }
0x65: {  	v3 =	vld [tilespmem:$0x90];
	_ =	sdelay $0x4  }
0x66: {  	v63 =	vshll.u32 v3, $0x3  }
0x67: {  	v3 =	vand.u32 $0x7, v3;
	v4 =	vand.u32 $0xFFFFFFC0, v63  }
0x68: {  	v3 =	vor.u32 v3, v4  }
0x69: {  	v4 =	vperm.xlane v3, v0;
	_ =	sdelay $0x1  }
0x6a: {  	v4 =	vadd.s32 v1, v4;
	_ =	sdelay $0x4  }
0x6b: {  	[tilespmem:s10], [sflag:$0x2] =	stream.indirect_vreg.gather [hbm4b:s1+s3], $0x80, v4, vm0, $0xb8;
	[tilespmem:$0x10400] =	vst v63  }
0x6c: {  	v3 =	vperm.xlane v3, v2  }
0x6d: {  	[tilespmem:s12], [sflag:$0x2] =	stream.indirect_vreg.gather [hbm4b:s5+s3], $0x80, v4, vm0, $0xb8;
	[tilespmem:$0x10400] =	vst v63  }
0x6e: {  	v3 =	vadd.s32 v1, v3  }
0x6f: {  	[tilespmem:s13], [sflag:$0x2] =	stream.indirect_vreg.gather [hbm4b:s6+s3], $0x80, v4, vm0, $0xb8;
	[tilespmem:$0x10400] =	vst v63  }
0x70: {  	_ = 	snop  }
0x71: {  	[tilespmem:s14], [sflag:$0x2] =	stream.indirect_vreg.gather [hbm4b:s7+s3], $0x80, v4, vm0, $0xb8;
	[tilespmem:$0x10400] =	vst v63  }
0x72: {  	_ = 	snop  }
0x73: {  	[tilespmem:s15], [sflag:$0x2] =	stream.indirect_vreg.gather [hbm4b:s1+s3], $0x80, v3, vm0, $0xb8;
	[tilespmem:$0x10400] =	vst v63  }
0x74: {  	_ = 	snop  }
0x75: {  	[tilespmem:s16], [sflag:$0x2] =	stream.indirect_vreg.gather [hbm4b:s5+s3], $0x80, v3, vm0, $0xb8;
	[tilespmem:$0x10400] =	vst v63  }
0x76: {  	_ = 	snop  }
0x77: {  	[tilespmem:s17], [sflag:$0x2] =	stream.indirect_vreg.gather [hbm4b:s6+s3], $0x80, v3, vm0, $0xb8;
	[tilespmem:$0x10400] =	vst v63  }
0x78: {  	s23 =	simm.s32 $0x190;
	s24 =	simm.s32 $0x0  }
0x79: {  	[tilespmem:s18], [sflag:$0x2] =	stream.indirect_vreg.gather [hbm4b:s7+s3], $0x80, v3, vm0, $0xb8;
	[tilespmem:$0x10400] =	vst v63  }
.LBB2_2:
0x7a: {  	_ =	swait.ge [sflag:s19], $0x8000  }
0x7b: {  	[sflag:s19] =	ssyncset.done $0x0  }
0x7c: {  	s25 =	sadd.s32 s24, s9;
	p0 =	seq.s32 s24, $0x6000;
	[sflag:s19] =	ssyncadd.s32 $0xFFFF8000  }
0x7d: {  	[hbm4b:s25+s3] =	stream.linear.scatter [tilespmem:s11], [sflag:$0x3], $0x8000, $0x38;
	[tilespmem:$0x10400] =	vst v63  }
.Ltmp2:
0x7e: {  	_ = 	snop;
	(pc) =	sbr.rel @p0 .LBB2_4-.Ltmp2, $4  }
0x7f: {  	_ =	swait.ge [sflag:s20], $0x8000  }
0x80: {  	[sflag:s20] =	ssyncset.done $0x0  }
0x81: {  	s25 =	sadd.s32 $0x1000, s25;
	[sflag:s20] =	ssyncadd.s32 $0xFFFF8000  }
0x82: {  	[hbm4b:s25+s3] =	stream.linear.scatter [tilespmem:s28], [sflag:$0x4], $0x8000, $0x38;
	[tilespmem:$0x10400] =	vst v63  }
0x83: {  	_ =	swait.ge [sflag:s21], $0x8000  }
0x84: {  	[sflag:s21] =	ssyncset.done $0x0  }
0x85: {  	[sflag:s21] =	ssyncadd.s32 $0xFFFF8000  }
0x86: {  	v3 =	vld [tilespmem:s23+$0xFFFFFF70];
	_ =	sdelay $0x4  }
0x87: {  	v4 =	vshll.u32 v3, $0x3  }
0x88: {  	v3 =	vand.u32 $0x7, v3;
	v4 =	vand.u32 $0xFFFFFFC0, v4  }
0x89: {  	v3 =	vor.u32 v3, v4  }
0x8a: {  	v4 =	vperm.xlane v3, v0;
	_ =	sdelay $0x1  }
0x8b: {  	v4 =	vadd.s32 v1, v4;
	_ =	sdelay $0x4  }
0x8c: {  	[tilespmem:s11], [sflag:$0x1] =	stream.indirect_vreg.gather [hbm4b:s1+s3], $0x80, v4, vm0, $0xb8;
	[tilespmem:$0x10400] =	vst v63  }
0x8d: {  	s25 =	simm.s32 $0xC00;
	v3 =	vperm.xlane v3, v2  }
0x8e: {  	[tilespmem:s25], [sflag:$0x1] =	stream.indirect_vreg.gather [hbm4b:s5+s3], $0x80, v4, vm0, $0xb8;
	[tilespmem:$0x10400] =	vst v63  }
0x8f: {  	v3 =	vadd.s32 v1, v3;
	s25 =	simm.s32 $0x1400  }
0x90: {  	[tilespmem:s25], [sflag:$0x1] =	stream.indirect_vreg.gather [hbm4b:s6+s3], $0x80, v4, vm0, $0xb8;
	[tilespmem:$0x10400] =	vst v63  }
0x91: {  	s25 =	simm.s32 $0x1C00  }
0x92: {  	[tilespmem:s25], [sflag:$0x1] =	stream.indirect_vreg.gather [hbm4b:s7+s3], $0x80, v4, vm0, $0xb8;
	[tilespmem:$0x10400] =	vst v63  }
0x93: {  	s25 =	simm.s32 $0x2400  }
0x94: {  	[tilespmem:s25], [sflag:$0x1] =	stream.indirect_vreg.gather [hbm4b:s1+s3], $0x80, v3, vm0, $0xb8;
	[tilespmem:$0x10400] =	vst v63  }
0x95: {  	s25 =	simm.s32 $0x2C00  }
0x96: {  	[tilespmem:s25], [sflag:$0x1] =	stream.indirect_vreg.gather [hbm4b:s5+s3], $0x80, v3, vm0, $0xb8;
	[tilespmem:$0x10400] =	vst v63  }
0x97: {  	s25 =	simm.s32 $0x3400  }
0x98: {  	[tilespmem:s25], [sflag:$0x1] =	stream.indirect_vreg.gather [hbm4b:s6+s3], $0x80, v3, vm0, $0xb8;
	[tilespmem:$0x10400] =	vst v63  }
0x99: {  	s25 =	simm.s32 $0x3C00  }
0x9a: {  	[tilespmem:s25], [sflag:$0x1] =	stream.indirect_vreg.gather [hbm4b:s7+s3], $0x80, v3, vm0, $0xb8;
	[tilespmem:$0x10400] =	vst v63  }
0x9b: {  	v3 =	vld [tilespmem:s23+$0xFFFFFF80];
	_ =	sdelay $0x4  }
0x9c: {  	v61 =	vshll.u32 v3, $0x3  }
0x9d: {  	v3 =	vand.u32 $0x7, v3;
	v4 =	vand.u32 $0xFFFFFFC0, v61  }
0x9e: {  	v3 =	vor.u32 v3, v4  }
0x9f: {  	v4 =	vperm.xlane v3, v0;
	_ =	sdelay $0x1  }
0xa0: {  	v4 =	vadd.s32 v1, v4;
	_ =	sdelay $0x3  }
0xa1: {  	s25 =	simm.s32 $0x4400  }
0xa2: {  	[tilespmem:s25], [sflag:$0x1] =	stream.indirect_vreg.gather [hbm4b:s1+s3], $0x80, v4, vm0, $0xb8;
	[tilespmem:$0x10400] =	vst v63  }
0xa3: {  	v3 =	vperm.xlane v3, v2;
	s25 =	simm.s32 $0x4C00  }
0xa4: {  	[tilespmem:s25], [sflag:$0x1] =	stream.indirect_vreg.gather [hbm4b:s5+s3], $0x80, v4, vm0, $0xb8;
	[tilespmem:$0x10400] =	vst v63  }
0xa5: {  	v3 =	vadd.s32 v1, v3;
	s25 =	simm.s32 $0x5400  }
0xa6: {  	[tilespmem:s25], [sflag:$0x1] =	stream.indirect_vreg.gather [hbm4b:s6+s3], $0x80, v4, vm0, $0xb8;
	[tilespmem:$0x10400] =	vst v63  }
0xa7: {  	s25 =	simm.s32 $0x5C00  }
0xa8: {  	[tilespmem:s25], [sflag:$0x1] =	stream.indirect_vreg.gather [hbm4b:s7+s3], $0x80, v4, vm0, $0xb8;
	[tilespmem:$0x10400] =	vst v63  }
0xa9: {  	s25 =	simm.s32 $0x6400  }
0xaa: {  	[tilespmem:s25], [sflag:$0x1] =	stream.indirect_vreg.gather [hbm4b:s1+s3], $0x80, v3, vm0, $0xb8;
	[tilespmem:$0x10400] =	vst v63  }
0xab: {  	s25 =	simm.s32 $0x6C00  }
0xac: {  	[tilespmem:s25], [sflag:$0x1] =	stream.indirect_vreg.gather [hbm4b:s5+s3], $0x80, v3, vm0, $0xb8;
	[tilespmem:$0x10400] =	vst v63  }
0xad: {  	s25 =	simm.s32 $0x7400  }
0xae: {  	[tilespmem:s25], [sflag:$0x1] =	stream.indirect_vreg.gather [hbm4b:s6+s3], $0x80, v3, vm0, $0xb8;
	[tilespmem:$0x10400] =	vst v63  }
0xaf: {  	_ = 	snop  }
0xb0: {  	[tilespmem:s26], [sflag:$0x1] =	stream.indirect_vreg.gather [hbm4b:s7+s3], $0x80, v3, vm0, $0xb8;
	[tilespmem:$0x10400] =	vst v63  }
0xb1: {  	_ =	swait.ge [sflag:s22], $0x8000  }
0xb2: {  	[sflag:s22] =	ssyncset.done $0x0  }
0xb3: {  	[sflag:s22] =	ssyncadd.s32 $0xFFFF8000  }
0xb4: {  	v3 =	vld [tilespmem:s23+$0xFFFFFFF0];
	_ =	sdelay $0x4  }
0xb5: {  	v62 =	vshll.u32 v3, $0x3  }
0xb6: {  	v3 =	vand.u32 $0x7, v3;
	v4 =	vand.u32 $0xFFFFFFC0, v62  }
0xb7: {  	v3 =	vor.u32 v3, v4  }
0xb8: {  	v4 =	vperm.xlane v3, v0;
	_ =	sdelay $0x1  }
0xb9: {  	v4 =	vadd.s32 v1, v4;
	_ =	sdelay $0x4  }
0xba: {  	[tilespmem:s28], [sflag:$0x2] =	stream.indirect_vreg.gather [hbm4b:s1+s3], $0x80, v4, vm0, $0xb8;
	[tilespmem:$0x10400] =	vst v63  }
0xbb: {  	v3 =	vperm.xlane v3, v2  }
0xbc: {  	[tilespmem:s29], [sflag:$0x2] =	stream.indirect_vreg.gather [hbm4b:s5+s3], $0x80, v4, vm0, $0xb8;
	[tilespmem:$0x10400] =	vst v63  }
0xbd: {  	v3 =	vadd.s32 v1, v3  }
0xbe: {  	[tilespmem:s30], [sflag:$0x2] =	stream.indirect_vreg.gather [hbm4b:s6+s3], $0x80, v4, vm0, $0xb8;
	[tilespmem:$0x10400] =	vst v63  }
0xbf: {  	_ = 	snop  }
0xc0: {  	[tilespmem:s31], [sflag:$0x2] =	stream.indirect_vreg.gather [hbm4b:s7+s3], $0x80, v4, vm0, $0xb8;
	[tilespmem:$0x10400] =	vst v63  }
0xc1: {  	_ = 	snop  }
0xc2: {  	[tilespmem:s0], [sflag:$0x2] =	stream.indirect_vreg.gather [hbm4b:s1+s3], $0x80, v3, vm0, $0xb8;
	[tilespmem:$0x10400] =	vst v63  }
0xc3: {  	_ = 	snop  }
0xc4: {  	[tilespmem:s2], [sflag:$0x2] =	stream.indirect_vreg.gather [hbm4b:s5+s3], $0x80, v3, vm0, $0xb8;
	[tilespmem:$0x10400] =	vst v63  }
0xc5: {  	_ = 	snop  }
0xc6: {  	[tilespmem:s4], [sflag:$0x2] =	stream.indirect_vreg.gather [hbm4b:s6+s3], $0x80, v3, vm0, $0xb8;
	[tilespmem:$0x10400] =	vst v63  }
0xc7: {  	_ = 	snop  }
0xc8: {  	[tilespmem:s8], [sflag:$0x2] =	stream.indirect_vreg.gather [hbm4b:s7+s3], $0x80, v3, vm0, $0xb8;
	[tilespmem:$0x10400] =	vst v63  }
0xc9: {  	v3 =	vld [tilespmem:s23+$0x0];
	_ =	sdelay $0x4  }
0xca: {  	v63 =	vshll.u32 v3, $0x3  }
0xcb: {  	v3 =	vand.u32 $0x7, v3;
	v4 =	vand.u32 $0xFFFFFFC0, v63  }
0xcc: {  	v3 =	vor.u32 v3, v4  }
0xcd: {  	v4 =	vperm.xlane v3, v0;
	_ =	sdelay $0x1  }
0xce: {  	v4 =	vadd.s32 v1, v4;
	_ =	sdelay $0x4  }
0xcf: {  	[tilespmem:s10], [sflag:$0x2] =	stream.indirect_vreg.gather [hbm4b:s1+s3], $0x80, v4, vm0, $0xb8;
	[tilespmem:$0x10400] =	vst v63  }
0xd0: {  	v3 =	vperm.xlane v3, v2  }
0xd1: {  	[tilespmem:s12], [sflag:$0x2] =	stream.indirect_vreg.gather [hbm4b:s5+s3], $0x80, v4, vm0, $0xb8;
	[tilespmem:$0x10400] =	vst v63  }
0xd2: {  	v3 =	vadd.s32 v1, v3  }
0xd3: {  	[tilespmem:s13], [sflag:$0x2] =	stream.indirect_vreg.gather [hbm4b:s6+s3], $0x80, v4, vm0, $0xb8;
	[tilespmem:$0x10400] =	vst v63  }
0xd4: {  	_ = 	snop  }
0xd5: {  	[tilespmem:s14], [sflag:$0x2] =	stream.indirect_vreg.gather [hbm4b:s7+s3], $0x80, v4, vm0, $0xb8;
	[tilespmem:$0x10400] =	vst v63  }
0xd6: {  	s24 =	sadd.s32 $0x2000, s24  }
0xd7: {  	[tilespmem:s15], [sflag:$0x2] =	stream.indirect_vreg.gather [hbm4b:s1+s3], $0x80, v3, vm0, $0xb8;
	[tilespmem:$0x10400] =	vst v63  }
0xd8: {  	p0 =	sne.s32 s24, $0x8000  }
0xd9: {  	[tilespmem:s16], [sflag:$0x2] =	stream.indirect_vreg.gather [hbm4b:s5+s3], $0x80, v3, vm0, $0xb8;
	[tilespmem:$0x10400] =	vst v63  }
.Ltmp3:
0xda: {  	_ = 	snop;
	(pc) =	sbr.rel @p0 .LBB2_2-.Ltmp3, $4  }
.Ltmp4:
0xdb: {  	_ = 	snop;
	(pc) =	sbr.rel @!p0 .LBB2_4-.Ltmp4, $4  }
0xdc: {  	[tilespmem:s17], [sflag:$0x2] =	stream.indirect_vreg.gather [hbm4b:s6+s3], $0x80, v3, vm0, $0xb8;
	[tilespmem:$0x10400] =	vst v63  }
0xdd: {  	s23 =	sadd.s32 $0x100, s23  }
0xde: {  	[tilespmem:s18], [sflag:$0x2] =	stream.indirect_vreg.gather [hbm4b:s7+s3], $0x80, v3, vm0, $0xb8;
	[tilespmem:$0x10400] =	vst v63  }
0xdf: {  	_ = 	snop  }
.LBB2_5:
0xe0: {  	_ =	sfence.sel $0x180000  }
0xe1: {  	[bflag:$0x0] =	sbarrier.arrive $0xFFFF  }
0xe2: {  	_ =	strace $0x90000047  }
0xe3: {  	s0 =	stileid.u32;
	[bflag:$0x2] =	sbarrier.arrive $0xFFFF  }
0xe4: {  	p0 =	sne.s32 s0, $0x0;
	s0 =	rddreg [dreg:$0x3]  }
0xe5: {  	s0 =	sadd.s32 @!p0 $0x100000, s0  }
0xe6: {  	[sflag:s0] =	ssyncadd.tile.s32 @!p0 $0x1;
	_ =	shalt  }
.Lfunc_end2:
_tile_overlayer_lowered:
.L_overlay_start_2:
0xe7: {  	(tag) =	ssettag $0x2  }
0xe8: {  	s0 =	rddreg [dreg:$0x0];
	s2 =	stileid.u32  }
0xe9: {  	s1 =	rddreg [dreg:$0x1];
	p0 =	sne.s32 s2, $0x0  }
0xea: {  	s3 =	rddreg [dreg:$0x2];
	[bflag:$0x3] =	sbarrier.arrive $0xFFFF;
	s2 =	simm.s32 @!p0 $0x1C05  }
0xeb: {  	[timem:s3], [sflag:s2] =	dma.local @!p0 [hbm:s0], s1  }
0xec: {  	s0 =	simm.s32 @!p0 $0x5  }
0xed: {  	_ =	swait.ge @!p0 [sflag:s0], s1  }
0xee: {  	s1 =	ssub.s32 @!p0 $0x0, s1;
	[sflag:s0] =	ssyncset.done @!p0 $0x0  }
0xef: {  	[sflag:s0] =	ssyncadd.s32 @!p0 s1  }
0xf0: {  	[bflag:$0x3] =	sbarrier.arrive $0xFFFF  }
0xf1: {  	_ =	shalt  }

</sc_bundles>
